<compile_context>
chip_gen: v7x
topology: tpu7x:2x2x1
jax: 0.10.2.dev20260603
libtpu: 0.0.44.dev20260713+nightly
codegen_flags: <defaults>
</compile_context>

<pallas_src>
import functools

import jax
import jax.numpy as jnp
from jax import lax
from jax.experimental import pallas as pl
from jax.experimental.pallas import tpu as pltpu
from jax.experimental.pallas import tpu_sc as plsc

_F = 26
_V = 100000
_E = 32
_NNUM = 13
_B = 16384

_NC = 2
_NS = 16
_EG = _F * _E
_EB = _EG // 8
_CBLK = _B // 128
_IH = _B // 2
_ROW_CHUNKS = ((0, 24960), (24960, 24960), (49920, 24960), (74880, 25088))
_VT = 99968


def _gather_body(tT, xcatT, tail, out4, row_v, idx_v, val_v, sem):
    e = lax.axis_index("s") * _NC + lax.axis_index("c")
    eb_off = e // 8
    sub = e % 8

    def row_chunks(f):
        for c0, cn in _ROW_CHUNKS:
            yield tT.at[f, e, pl.ds(c0, cn)], row_v.at[pl.ds(c0, cn)]
        yield tail.at[f, e], row_v.at[pl.ds(_VT, 128)]

    def start_row(f):
        for src, dst in row_chunks(f):
            pltpu.async_copy(src, dst, sem)

    def wait_row(f):
        for src, dst in row_chunks(f):
            pltpu.make_async_copy(src, dst, sem).wait()

    start_row(0)

    def field(f, carry):
        pltpu.sync_copy(xcatT.at[f, pl.ds(0, _IH)], idx_v)
        wait_row(f)
        for h in range(2):
            if h:
                pltpu.sync_copy(xcatT.at[f, pl.ds(h * _IH, _IH)], idx_v)

            def grp(i, c3):
                for u in range(16):
                    iv = idx_v[pl.ds(i * 256 + u * 16, 16)]
                    vals = plsc.load_gather(row_v, [iv])
                    val_v[h * 64 + i * 2 + u // 8, pl.ds((u % 8) * 16, 16)] = vals
                return c3

            lax.fori_loop(0, _IH // 256, grp, 0)

        @pl.when(f + 1 < _F)
        def _():
            start_row(f + 1)

        pltpu.sync_copy(val_v, out4.at[4 * f + eb_off, :, sub, :])
        return carry

    lax.fori_loop(0, _F, field, 0)


def _sc_gather(tT, xcatT, tail):
    mesh = plsc.VectorSubcoreMesh(core_axis_name="c", subcore_axis_name="s")
    k = functools.partial(
        pl.kernel,
        out_type=jax.ShapeDtypeStruct((_EB, _CBLK, 8, 128), jnp.float32),
        mesh=mesh,
        scratch_types=[
            pltpu.VMEM((_VT + 128,), jnp.float32),
            pltpu.VMEM((_IH,), jnp.int32),
            pltpu.VMEM((128, 128), jnp.float32),
            pltpu.SemaphoreType.DMA,
        ],
        compiler_params=pltpu.CompilerParams(
            use_tc_tiling_on_sc=True, needs_layout_passes=False),
    )(_gather_body)
    return k(tT, xcatT, tail)


def _mlp_body(xnT_ref, emb_ref, w1n_ref, w1e_ref, b1_ref, w2_ref, b2_ref,
              w3_ref, b3_ref, out_ref):
    cb_n = emb_ref.shape[1]
    x = jnp.concatenate(
        [emb_ref[:, cb, :, :].reshape(_EG, 128) for cb in range(cb_n)], axis=1)
    h1 = jnp.dot(w1e_ref[...], x, preferred_element_type=jnp.float32)
    h1 = h1 + jnp.dot(w1n_ref[...], xnT_ref[...],
                      preferred_element_type=jnp.float32)
    h1 = jnp.maximum(h1 + b1_ref[...], 0.0)
    h2 = jnp.maximum(
        jnp.dot(w2_ref[...], h1, preferred_element_type=jnp.float32)
        + b2_ref[...], 0.0)
    out_ref[...] = (
        jnp.dot(w3_ref[...], h2, preferred_element_type=jnp.float32)
        + b3_ref[...])


def _tc_mlp(xnT, emb4, w1n, w1e, b1, w2, b2, w3, b3):
    cb_per = 8
    grid = (_CBLK // cb_per,)
    return pl.pallas_call(
        _mlp_body,
        grid=grid,
        in_specs=[
            pl.BlockSpec((_NNUM, cb_per * 128), lambda i: (0, i)),
            pl.BlockSpec((_EB, cb_per, 8, 128), lambda i: (0, i, 0, 0)),
            pl.BlockSpec((128, _NNUM), lambda i: (0, 0)),
            pl.BlockSpec((128, _EG), lambda i: (0, 0)),
            pl.BlockSpec((128, 1), lambda i: (0, 0)),
            pl.BlockSpec((64, 128), lambda i: (0, 0)),
            pl.BlockSpec((64, 1), lambda i: (0, 0)),
            pl.BlockSpec((1, 64), lambda i: (0, 0)),
            pl.BlockSpec((1, 1), lambda i: (0, 0)),
        ],
        out_specs=pl.BlockSpec((1, cb_per * 128), lambda i: (0, i)),
        out_shape=jax.ShapeDtypeStruct((1, _B), jnp.float32),
    )(xnT, emb4, w1n, w1e, b1, w2, b2, w3, b3)


def kernel(x_num, x_cat, tables, W1, b1, W2, b2, W3, b3):
    tT = tables.transpose(0, 2, 1)
    xcatT = x_cat.astype(jnp.int32).T
    tail = jnp.pad(tables[:, _VT:, :].transpose(0, 2, 1),
                   ((0, 0), (0, 0), (0, 128 - (_V - _VT))))
    emb4 = _sc_gather(tT, xcatT, tail)
    outT = _tc_mlp(
        x_num.T, emb4,
        W1[:, :_NNUM], W1[:, _NNUM:], b1.reshape(-1, 1),
        W2, b2.reshape(-1, 1),
        W3, b3.reshape(1, 1),
    )
    return outT.reshape(_B, 1)

# --- scband reference (transcript-rebuilt; emitter-appended) ---
"""Pipeline reference for scband-embedding-nnregressor-34333968564431 (READ-ONLY COPY).

The authoritative reference and input builder live on the scoring server;
editing this copy changes nothing except your own understanding.
"""

import jax, jax.numpy as jnp
import numpy as np

N_FIELDS = 26
VOCAB = 100000
EMB_DIM = 32  # min(32, 100000//2 + 1)
N_NUM = 13
BATCH = 16384


def setup_inputs(seed: int = 0) -> dict:
    key = jax.random.key(seed)
    ks = jax.random.split(key, 12)
    x_num = jax.random.normal(ks[0], (BATCH, N_NUM), dtype=jnp.float32)
    x_cat = jax.random.randint(ks[1], (BATCH, N_FIELDS), 0, VOCAB, dtype=jnp.int64)
    # Embedding tables (all same shape -> stack): nn.Embedding init ~ N(0,1)
    tables = jax.random.normal(ks[2], (N_FIELDS, VOCAB, EMB_DIM), dtype=jnp.float32)
    d_in = N_NUM + N_FIELDS * EMB_DIM  # 845
    # Linear layers: kaiming-uniform-ish init (bound = 1/sqrt(fan_in))
    def lin(k, out_f, in_f):
        k1, k2 = jax.random.split(k)
        bound = 1.0 / np.sqrt(in_f)
        W = jax.random.uniform(k1, (out_f, in_f), jnp.float32, -bound, bound)
        b = jax.random.uniform(k2, (out_f,), jnp.float32, -bound, bound)
        return W, b
    W1, b1 = lin(ks[3], 128, d_in)
    W2, b2 = lin(ks[4], 64, 128)
    W3, b3 = lin(ks[5], 1, 64)
    return {"x_num": x_num, "x_cat": x_cat, "tables": tables,
            "W1": W1, "b1": b1, "W2": W2, "b2": b2, "W3": W3, "b3": b3}


def reference(x_num, x_cat, tables, W1, b1, W2, b2, W3, b3):
    # Per-field embedding lookup: emb_list[i] = tables[i][x_cat[:, i]]
    # Vectorized gather: [B, F, E]
    field_idx = jnp.arange(N_FIELDS)[None, :]          # [1, F]
    emb = tables[field_idx, x_cat]                      # [B, F, E]
    emb_cat = emb.reshape(emb.shape[0], -1)             # [B, F*E] (== torch.cat of per-field embs)
    x_all = jnp.concatenate([x_num, emb_cat], axis=1)   # [B, N_NUM + F*E]
    h = jnp.maximum(x_all @ W1.T + b1, 0.0)
    h = jnp.maximum(h @ W2.T + b2, 0.0)
    out = h @ W3.T + b3
    return out

if __name__ == "__main__":
    import jax
    _d = setup_inputs()
    print(jax.jit(kernel)(*tuple(_d.values())))

</pallas_src>

<mosaic_0001>
#map = affine_map<(d0, d1) -> (0, 0, 0)>
#map1 = affine_map<(d0, d1) -> (0, 0)>
#map2 = affine_map<(d0, d1) -> (0, 0, 0, 0)>
module attributes {stable_mosaic.version = 14 : i64} {
  func.func @_gather_body(%arg0: i32, %arg1: i32, %arg2: memref<26x32x100000xf32, #tpu.memory_space<hbm>>, %arg3: memref<26x16384xi32, #tpu.memory_space<hbm>>, %arg4: memref<26x32x128xf32, #tpu.memory_space<hbm>>, %arg5: memref<104x128x8x128xf32, #tpu.memory_space<hbm>>, %arg6: memref<100096xf32, #tpu.memory_space<vmem>>, %arg7: memref<8192xi32, #tpu.memory_space<vmem>>, %arg8: memref<128x128xf32, #tpu.memory_space<vmem>>, %arg9: memref<!tpu.dma_semaphore, #tpu.memory_space<semaphore_mem>>) attributes {dimension_semantics = [#tpu.dimension_semantics<core_parallel>, #tpu.dimension_semantics<subcore_parallel>], iteration_bounds = array<i64: 2, 16>, scalar_prefetch = 0 : i64, scratch_operands = 4 : i64, tpu.core_type = #tpu.core_type<sc_vector_subcore>, window_params = [{transform_indices = #map}, {transform_indices = #map1}, {transform_indices = #map}, {transform_indices = #map2}]} {
    %mul3A = arith.constant 2 : i32
    %mul3A_0 = arith.muli %arg1, %mul3A : i32
    %add3A = arith.addi %mul3A_0, %arg0 : i32
    %jit3A = arith.constant 8 : i32
    %div3A = arith.divsi %add3A, %jit3A : i32
    %sign3A = arith.constant 0 : i32
    %sign3A_1 = arith.cmpi sgt, %add3A, %sign3A : i32
    %sign3A_2 = arith.extui %sign3A_1 : i1 to i32
    %sign3A_3 = arith.constant 0 : i32
    %sign3A_4 = arith.cmpi slt, %add3A, %sign3A_3 : i32
    %sign3A_5 = arith.extui %sign3A_4 : i1 to i32
    %sign3A_6 = arith.subi %sign3A_2, %sign3A_5 : i32
    %sign3A_7 = arith.constant 0 : i32
    %sign3A_8 = arith.cmpi sgt, %jit3A, %sign3A_7 : i32
    %sign3A_9 = arith.extui %sign3A_8 : i1 to i32
    %sign3A_10 = arith.constant 0 : i32
    %sign3A_11 = arith.cmpi slt, %jit3A, %sign3A_10 : i32
    %sign3A_12 = arith.extui %sign3A_11 : i1 to i32
    %sign3A_13 = arith.subi %sign3A_9, %sign3A_12 : i32
    %ne3A = arith.cmpi ne, %sign3A_6, %sign3A_13 : i32
    %rem3A = arith.remsi %add3A, %jit3A : i32
    %ne3A_14 = arith.constant 0 : i32
    %ne3A_15 = arith.cmpi ne, %rem3A, %ne3A_14 : i32
    %and3A = arith.andi %ne3A, %ne3A_15 : i1
    %sub3A = arith.constant 1 : i32
    %sub3A_16 = arith.subi %div3A, %sub3A : i32
    %select_n3A = arith.select %and3A, %sub3A_16, %div3A : i32
    %jit3A_17 = arith.constant 8 : i32
    %eq3A = arith.constant 0 : i32
    %eq3A_18 = arith.cmpi eq, %jit3A_17, %eq3A : i32
    %jit3A_19 = arith.constant 1 : i32
    %select_n3A_20 = arith.select %eq3A_18, %jit3A_19, %jit3A_17 : i32
    %rem3A_21 = arith.remsi %add3A, %select_n3A_20 : i32
    %ne3A_22 = arith.constant 0 : i32
    %ne3A_23 = arith.cmpi ne, %rem3A_21, %ne3A_22 : i32
    %lt3A = arith.constant 0 : i32
    %lt3A_24 = arith.cmpi slt, %rem3A_21, %lt3A : i32
    %lt3A_25 = arith.constant 0 : i32
    %lt3A_26 = arith.cmpi slt, %select_n3A_20, %lt3A_25 : i32
    %ne3A_27 = arith.xori %lt3A_24, %lt3A_26 : i1
    %and3A_28 = arith.andi %ne3A_27, %ne3A_23 : i1
    %add3A_29 = arith.addi %rem3A_21, %select_n3A_20 : i32
    %select_n3A_30 = arith.select %and3A_28, %add3A_29, %rem3A_21 : i32
    %dma_start3A = arith.constant 0 : i32
    %dma_start3A_31 = arith.constant 0 : i32
    %dma_start3A_32 = tpu.memref_slice %arg6[%dma_start3A_31] : memref<100096xf32, #tpu.memory_space<vmem>> -> memref<24960xf32, #tpu.memory_space<vmem>>
    %dma_start3A_33 = arith.constant 0 : i32
    %dma_start3A_34 = tpu.memref_slice %arg2[%dma_start3A, %add3A, %dma_start3A_33] : memref<26x32x100000xf32, #tpu.memory_space<hbm>> -> memref<1x1x24960xf32, #tpu.memory_space<hbm>>
    %dma_start3A_35 = tpu.memref_squeeze %dma_start3A_34 : memref<1x1x24960xf32, #tpu.memory_space<hbm>> -> memref<24960xf32, #tpu.memory_space<hbm>>
    %dma_start3A_36 = arith.constant 0 : i32
    %dma_start3A_37 = tpu.memref_slice %arg6[%dma_start3A_36] : memref<100096xf32, #tpu.memory_space<vmem>> -> memref<24960xf32, #tpu.memory_space<vmem>>
    %dma_start3A_38 = arith.constant 0 : i32
    %dma_start3A_39 = tpu.memref_slice %arg2[%dma_start3A, %add3A, %dma_start3A_38] : memref<26x32x100000xf32, #tpu.memory_space<hbm>> -> memref<1x1x24960xf32, #tpu.memory_space<hbm>>
    %dma_start3A_40 = tpu.memref_squeeze %dma_start3A_39 : memref<1x1x24960xf32, #tpu.memory_space<hbm>> -> memref<24960xf32, #tpu.memory_space<hbm>>
    tpu.enqueue_dma source(%dma_start3A_40 : memref<24960xf32, #tpu.memory_space<hbm>>) target(%dma_start3A_37 : memref<24960xf32, #tpu.memory_space<vmem>>) target_semaphore(%arg9 : memref<!tpu.dma_semaphore, #tpu.memory_space<semaphore_mem>>)
    %dma_start3A_41 = arith.constant 0 : i32
    %dma_start3A_42 = arith.constant 24960 : i32
    %dma_start3A_43 = tpu.memref_slice %arg6[%dma_start3A_42] : memref<100096xf32, #tpu.memory_space<vmem>> -> memref<24960xf32, #tpu.memory_space<vmem>>
    %dma_start3A_44 = arith.constant 24960 : i32
    %dma_start3A_45 = tpu.memref_slice %arg2[%dma_start3A_41, %add3A, %dma_start3A_44] : memref<26x32x100000xf32, #tpu.memory_space<hbm>> -> memref<1x1x24960xf32, #tpu.memory_space<hbm>>
    %dma_start3A_46 = tpu.memref_squeeze %dma_start3A_45 : memref<1x1x24960xf32, #tpu.memory_space<hbm>> -> memref<24960xf32, #tpu.memory_space<hbm>>
    %dma_start3A_47 = arith.constant 24960 : i32
    %dma_start3A_48 = tpu.memref_slice %arg6[%dma_start3A_47] : memref<100096xf32, #tpu.memory_space<vmem>> -> memref<24960xf32, #tpu.memory_space<vmem>>
    %dma_start3A_49 = arith.constant 24960 : i32
    %dma_start3A_50 = tpu.memref_slice %arg2[%dma_start3A_41, %add3A, %dma_start3A_49] : memref<26x32x100000xf32, #tpu.memory_space<hbm>> -> memref<1x1x24960xf32, #tpu.memory_space<hbm>>
    %dma_start3A_51 = tpu.memref_squeeze %dma_start3A_50 : memref<1x1x24960xf32, #tpu.memory_space<hbm>> -> memref<24960xf32, #tpu.memory_space<hbm>>
    tpu.enqueue_dma source(%dma_start3A_51 : memref<24960xf32, #tpu.memory_space<hbm>>) target(%dma_start3A_48 : memref<24960xf32, #tpu.memory_space<vmem>>) target_semaphore(%arg9 : memref<!tpu.dma_semaphore, #tpu.memory_space<semaphore_mem>>)
    %dma_start3A_52 = arith.constant 0 : i32
    %dma_start3A_53 = arith.constant 49920 : i32
    %dma_start3A_54 = tpu.memref_slice %arg6[%dma_start3A_53] : memref<100096xf32, #tpu.memory_space<vmem>> -> memref<24960xf32, #tpu.memory_space<vmem>>
    %dma_start3A_55 = arith.constant 49920 : i32
    %dma_start3A_56 = tpu.memref_slice %arg2[%dma_start3A_52, %add3A, %dma_start3A_55] : memref<26x32x100000xf32, #tpu.memory_space<hbm>> -> memref<1x1x24960xf32, #tpu.memory_space<hbm>>
    %dma_start3A_57 = tpu.memref_squeeze %dma_start3A_56 : memref<1x1x24960xf32, #tpu.memory_space<hbm>> -> memref<24960xf32, #tpu.memory_space<hbm>>
    %dma_start3A_58 = arith.constant 49920 : i32
    %dma_start3A_59 = tpu.memref_slice %arg6[%dma_start3A_58] : memref<100096xf32, #tpu.memory_space<vmem>> -> memref<24960xf32, #tpu.memory_space<vmem>>
    %dma_start3A_60 = arith.constant 49920 : i32
    %dma_start3A_61 = tpu.memref_slice %arg2[%dma_start3A_52, %add3A, %dma_start3A_60] : memref<26x32x100000xf32, #tpu.memory_space<hbm>> -> memref<1x1x24960xf32, #tpu.memory_space<hbm>>
    %dma_start3A_62 = tpu.memref_squeeze %dma_start3A_61 : memref<1x1x24960xf32, #tpu.memory_space<hbm>> -> memref<24960xf32, #tpu.memory_space<hbm>>
    tpu.enqueue_dma source(%dma_start3A_62 : memref<24960xf32, #tpu.memory_space<hbm>>) target(%dma_start3A_59 : memref<24960xf32, #tpu.memory_space<vmem>>) target_semaphore(%arg9 : memref<!tpu.dma_semaphore, #tpu.memory_space<semaphore_mem>>)
    %dma_start3A_63 = arith.constant 0 : i32
    %dma_start3A_64 = arith.constant 74880 : i32
    %dma_start3A_65 = tpu.memref_slice %arg6[%dma_start3A_64] : memref<100096xf32, #tpu.memory_space<vmem>> -> memref<25088xf32, #tpu.memory_space<vmem>>
    %dma_start3A_66 = arith.constant 74880 : i32
    %dma_start3A_67 = tpu.memref_slice %arg2[%dma_start3A_63, %add3A, %dma_start3A_66] : memref<26x32x100000xf32, #tpu.memory_space<hbm>> -> memref<1x1x25088xf32, #tpu.memory_space<hbm>>
    %dma_start3A_68 = tpu.memref_squeeze %dma_start3A_67 : memref<1x1x25088xf32, #tpu.memory_space<hbm>> -> memref<25088xf32, #tpu.memory_space<hbm>>
    %dma_start3A_69 = arith.constant 74880 : i32
    %dma_start3A_70 = tpu.memref_slice %arg6[%dma_start3A_69] : memref<100096xf32, #tpu.memory_space<vmem>> -> memref<25088xf32, #tpu.memory_space<vmem>>
    %dma_start3A_71 = arith.constant 74880 : i32
    %dma_start3A_72 = tpu.memref_slice %arg2[%dma_start3A_63, %add3A, %dma_start3A_71] : memref<26x32x100000xf32, #tpu.memory_space<hbm>> -> memref<1x1x25088xf32, #tpu.memory_space<hbm>>
    %dma_start3A_73 = tpu.memref_squeeze %dma_start3A_72 : memref<1x1x25088xf32, #tpu.memory_space<hbm>> -> memref<25088xf32, #tpu.memory_space<hbm>>
    tpu.enqueue_dma source(%dma_start3A_73 : memref<25088xf32, #tpu.memory_space<hbm>>) target(%dma_start3A_70 : memref<25088xf32, #tpu.memory_space<vmem>>) target_semaphore(%arg9 : memref<!tpu.dma_semaphore, #tpu.memory_space<semaphore_mem>>)
    %dma_start3A_74 = arith.constant 0 : i32
    %dma_start3A_75 = arith.constant 99968 : i32
    %dma_start3A_76 = tpu.memref_slice %arg6[%dma_start3A_75] : memref<100096xf32, #tpu.memory_space<vmem>> -> memref<128xf32, #tpu.memory_space<vmem>>
    %dma_start3A_77 = arith.constant 0 : i32
    %dma_start3A_78 = tpu.memref_slice %arg4[%dma_start3A_74, %add3A, %dma_start3A_77] : memref<26x32x128xf32, #tpu.memory_space<hbm>> -> memref<1x1x128xf32, #tpu.memory_space<hbm>>
    %dma_start3A_79 = tpu.memref_squeeze %dma_start3A_78 : memref<1x1x128xf32, #tpu.memory_space<hbm>> -> memref<128xf32, #tpu.memory_space<hbm>>
    %dma_start3A_80 = arith.constant 99968 : i32
    %dma_start3A_81 = tpu.memref_slice %arg6[%dma_start3A_80] : memref<100096xf32, #tpu.memory_space<vmem>> -> memref<128xf32, #tpu.memory_space<vmem>>
    %dma_start3A_82 = arith.constant 0 : i32
    %dma_start3A_83 = tpu.memref_slice %arg4[%dma_start3A_74, %add3A, %dma_start3A_82] : memref<26x32x128xf32, #tpu.memory_space<hbm>> -> memref<1x1x128xf32, #tpu.memory_space<hbm>>
    %dma_start3A_84 = tpu.memref_squeeze %dma_start3A_83 : memref<1x1x128xf32, #tpu.memory_space<hbm>> -> memref<128xf32, #tpu.memory_space<hbm>>
    tpu.enqueue_dma source(%dma_start3A_84 : memref<128xf32, #tpu.memory_space<hbm>>) target(%dma_start3A_81 : memref<128xf32, #tpu.memory_space<vmem>>) target_semaphore(%arg9 : memref<!tpu.dma_semaphore, #tpu.memory_space<semaphore_mem>>)
    %scan3A = arith.constant 0 : i32
    %scan3A_85 = arith.constant 0 : i32
    %scan3A_86 = arith.constant 26 : i32
    %scan3A_87 = arith.addi %scan3A_85, %scan3A_86 : i32
    %scan3A_88 = arith.constant 1 : i32
    scf.for %scan3A_90 = %scan3A_85 to %scan3A_87 step %scan3A_88  : i32 {
      "tpu.region"() ({
        %run_scoped3A = tpu.sem_alloc : memref<!tpu.dma_semaphore, #tpu.memory_space<semaphore_mem>>
        %dma_start3A_160 = arith.constant 0 : i32
        %dma_start3A_161 = tpu.memref_slice %arg3[%scan3A_90, %dma_start3A_160] : memref<26x16384xi32, #tpu.memory_space<hbm>> -> memref<1x8192xi32, #tpu.memory_space<hbm>>
        %dma_start3A_162 = tpu.memref_squeeze %dma_start3A_161 : memref<1x8192xi32, #tpu.memory_space<hbm>> -> memref<8192xi32, #tpu.memory_space<hbm>>
        %dma_start3A_163 = arith.constant 0 : i32
        %dma_start3A_164 = tpu.memref_slice %arg3[%scan3A_90, %dma_start3A_163] : memref<26x16384xi32, #tpu.memory_space<hbm>> -> memref<1x8192xi32, #tpu.memory_space<hbm>>
        %dma_start3A_165 = tpu.memref_squeeze %dma_start3A_164 : memref<1x8192xi32, #tpu.memory_space<hbm>> -> memref<8192xi32, #tpu.memory_space<hbm>>
        tpu.enqueue_dma source(%dma_start3A_165 : memref<8192xi32, #tpu.memory_space<hbm>>) target(%arg7 : memref<8192xi32, #tpu.memory_space<vmem>>) target_semaphore(%run_scoped3A : memref<!tpu.dma_semaphore, #tpu.memory_space<semaphore_mem>>)
        %dma_wait3A_166 = arith.constant 0 : i32
        %dma_wait3A_167 = tpu.memref_slice %arg3[%scan3A_90, %dma_wait3A_166] : memref<26x16384xi32, #tpu.memory_space<hbm>> -> memref<1x8192xi32, #tpu.memory_space<hbm>>
        %dma_wait3A_168 = tpu.memref_squeeze %dma_wait3A_167 : memref<1x8192xi32, #tpu.memory_space<hbm>> -> memref<8192xi32, #tpu.memory_space<hbm>>
        %dma_wait3A_169 = arith.constant 0 : i32
        %dma_wait3A_170 = tpu.memref_slice %arg3[%scan3A_90, %dma_wait3A_169] : memref<26x16384xi32, #tpu.memory_space<hbm>> -> memref<1x8192xi32, #tpu.memory_space<hbm>>
        %dma_wait3A_171 = tpu.memref_squeeze %dma_wait3A_170 : memref<1x8192xi32, #tpu.memory_space<hbm>> -> memref<8192xi32, #tpu.memory_space<hbm>>
        tpu.wait_dma2 semaphore(%run_scoped3A : memref<!tpu.dma_semaphore, #tpu.memory_space<semaphore_mem>>) src(%dma_wait3A_171 : memref<8192xi32, #tpu.memory_space<hbm>>) dst(%arg7 : memref<8192xi32, #tpu.memory_space<vmem>>)
        tpu.yield
      }) : () -> ()
      %dma_wait3A = arith.constant 0 : i32
      %dma_wait3A_91 = tpu.memref_slice %arg6[%dma_wait3A] : memref<100096xf32, #tpu.memory_space<vmem>> -> memref<24960xf32, #tpu.memory_space<vmem>>
      %dma_wait3A_92 = arith.constant 0 : i32
      %dma_wait3A_93 = tpu.memref_slice %arg2[%scan3A_90, %add3A, %dma_wait3A_92] : memref<26x32x100000xf32, #tpu.memory_space<hbm>> -> memref<1x1x24960xf32, #tpu.memory_space<hbm>>
      %dma_wait3A_94 = tpu.memref_squeeze %dma_wait3A_93 : memref<1x1x24960xf32, #tpu.memory_space<hbm>> -> memref<24960xf32, #tpu.memory_space<hbm>>
      %dma_wait3A_95 = arith.constant 0 : i32
      %dma_wait3A_96 = tpu.memref_slice %arg6[%dma_wait3A_95] : memref<100096xf32, #tpu.memory_space<vmem>> -> memref<24960xf32, #tpu.memory_space<vmem>>
      %dma_wait3A_97 = arith.constant 0 : i32
      %dma_wait3A_98 = tpu.memref_slice %arg2[%scan3A_90, %add3A, %dma_wait3A_97] : memref<26x32x100000xf32, #tpu.memory_space<hbm>> -> memref<1x1x24960xf32, #tpu.memory_space<hbm>>
      %dma_wait3A_99 = tpu.memref_squeeze %dma_wait3A_98 : memref<1x1x24960xf32, #tpu.memory_space<hbm>> -> memref<24960xf32, #tpu.memory_space<hbm>>
      tpu.wait_dma2 semaphore(%arg9 : memref<!tpu.dma_semaphore, #tpu.memory_space<semaphore_mem>>) src(%dma_wait3A_99 : memref<24960xf32, #tpu.memory_space<hbm>>) dst(%dma_wait3A_96 : memref<24960xf32, #tpu.memory_space<vmem>>)
      %dma_wait3A_100 = arith.constant 24960 : i32
      %dma_wait3A_101 = tpu.memref_slice %arg6[%dma_wait3A_100] : memref<100096xf32, #tpu.memory_space<vmem>> -> memref<24960xf32, #tpu.memory_space<vmem>>
      %dma_wait3A_102 = arith.constant 24960 : i32
      %dma_wait3A_103 = tpu.memref_slice %arg2[%scan3A_90, %add3A, %dma_wait3A_102] : memref<26x32x100000xf32, #tpu.memory_space<hbm>> -> memref<1x1x24960xf32, #tpu.memory_space<hbm>>
      %dma_wait3A_104 = tpu.memref_squeeze %dma_wait3A_103 : memref<1x1x24960xf32, #tpu.memory_space<hbm>> -> memref<24960xf32, #tpu.memory_space<hbm>>
      %dma_wait3A_105 = arith.constant 24960 : i32
      %dma_wait3A_106 = tpu.memref_slice %arg6[%dma_wait3A_105] : memref<100096xf32, #tpu.memory_space<vmem>> -> memref<24960xf32, #tpu.memory_space<vmem>>
      %dma_wait3A_107 = arith.constant 24960 : i32
      %dma_wait3A_108 = tpu.memref_slice %arg2[%scan3A_90, %add3A, %dma_wait3A_107] : memref<26x32x100000xf32, #tpu.memory_space<hbm>> -> memref<1x1x24960xf32, #tpu.memory_space<hbm>>
      %dma_wait3A_109 = tpu.memref_squeeze %dma_wait3A_108 : memref<1x1x24960xf32, #tpu.memory_space<hbm>> -> memref<24960xf32, #tpu.memory_space<hbm>>
      tpu.wait_dma2 semaphore(%arg9 : memref<!tpu.dma_semaphore, #tpu.memory_space<semaphore_mem>>) src(%dma_wait3A_109 : memref<24960xf32, #tpu.memory_space<hbm>>) dst(%dma_wait3A_106 : memref<24960xf32, #tpu.memory_space<vmem>>)
      %dma_wait3A_110 = arith.constant 49920 : i32
      %dma_wait3A_111 = tpu.memref_slice %arg6[%dma_wait3A_110] : memref<100096xf32, #tpu.memory_space<vmem>> -> memref<24960xf32, #tpu.memory_space<vmem>>
      %dma_wait3A_112 = arith.constant 49920 : i32
      %dma_wait3A_113 = tpu.memref_slice %arg2[%scan3A_90, %add3A, %dma_wait3A_112] : memref<26x32x100000xf32, #tpu.memory_space<hbm>> -> memref<1x1x24960xf32, #tpu.memory_space<hbm>>
      %dma_wait3A_114 = tpu.memref_squeeze %dma_wait3A_113 : memref<1x1x24960xf32, #tpu.memory_space<hbm>> -> memref<24960xf32, #tpu.memory_space<hbm>>
      %dma_wait3A_115 = arith.constant 49920 : i32
      %dma_wait3A_116 = tpu.memref_slice %arg6[%dma_wait3A_115] : memref<100096xf32, #tpu.memory_space<vmem>> -> memref<24960xf32, #tpu.memory_space<vmem>>
      %dma_wait3A_117 = arith.constant 49920 : i32
      %dma_wait3A_118 = tpu.memref_slice %arg2[%scan3A_90, %add3A, %dma_wait3A_117] : memref<26x32x100000xf32, #tpu.memory_space<hbm>> -> memref<1x1x24960xf32, #tpu.memory_space<hbm>>
      %dma_wait3A_119 = tpu.memref_squeeze %dma_wait3A_118 : memref<1x1x24960xf32, #tpu.memory_space<hbm>> -> memref<24960xf32, #tpu.memory_space<hbm>>
      tpu.wait_dma2 semaphore(%arg9 : memref<!tpu.dma_semaphore, #tpu.memory_space<semaphore_mem>>) src(%dma_wait3A_119 : memref<24960xf32, #tpu.memory_space<hbm>>) dst(%dma_wait3A_116 : memref<24960xf32, #tpu.memory_space<vmem>>)
      %dma_wait3A_120 = arith.constant 74880 : i32
      %dma_wait3A_121 = tpu.memref_slice %arg6[%dma_wait3A_120] : memref<100096xf32, #tpu.memory_space<vmem>> -> memref<25088xf32, #tpu.memory_space<vmem>>
      %dma_wait3A_122 = arith.constant 74880 : i32
      %dma_wait3A_123 = tpu.memref_slice %arg2[%scan3A_90, %add3A, %dma_wait3A_122] : memref<26x32x100000xf32, #tpu.memory_space<hbm>> -> memref<1x1x25088xf32, #tpu.memory_space<hbm>>
      %dma_wait3A_124 = tpu.memref_squeeze %dma_wait3A_123 : memref<1x1x25088xf32, #tpu.memory_space<hbm>> -> memref<25088xf32, #tpu.memory_space<hbm>>
      %dma_wait3A_125 = arith.constant 74880 : i32
      %dma_wait3A_126 = tpu.memref_slice %arg6[%dma_wait3A_125] : memref<100096xf32, #tpu.memory_space<vmem>> -> memref<25088xf32, #tpu.memory_space<vmem>>
      %dma_wait3A_127 = arith.constant 74880 : i32
      %dma_wait3A_128 = tpu.memref_slice %arg2[%scan3A_90, %add3A, %dma_wait3A_127] : memref<26x32x100000xf32, #tpu.memory_space<hbm>> -> memref<1x1x25088xf32, #tpu.memory_space<hbm>>
      %dma_wait3A_129 = tpu.memref_squeeze %dma_wait3A_128 : memref<1x1x25088xf32, #tpu.memory_space<hbm>> -> memref<25088xf32, #tpu.memory_space<hbm>>
      tpu.wait_dma2 semaphore(%arg9 : memref<!tpu.dma_semaphore, #tpu.memory_space<semaphore_mem>>) src(%dma_wait3A_129 : memref<25088xf32, #tpu.memory_space<hbm>>) dst(%dma_wait3A_126 : memref<25088xf32, #tpu.memory_space<vmem>>)
      %dma_wait3A_130 = arith.constant 99968 : i32
      %dma_wait3A_131 = tpu.memref_slice %arg6[%dma_wait3A_130] : memref<100096xf32, #tpu.memory_space<vmem>> -> memref<128xf32, #tpu.memory_space<vmem>>
      %dma_wait3A_132 = arith.constant 0 : i32
      %dma_wait3A_133 = tpu.memref_slice %arg4[%scan3A_90, %add3A, %dma_wait3A_132] : memref<26x32x128xf32, #tpu.memory_space<hbm>> -> memref<1x1x128xf32, #tpu.memory_space<hbm>>
      %dma_wait3A_134 = tpu.memref_squeeze %dma_wait3A_133 : memref<1x1x128xf32, #tpu.memory_space<hbm>> -> memref<128xf32, #tpu.memory_space<hbm>>
      %dma_wait3A_135 = arith.constant 99968 : i32
      %dma_wait3A_136 = tpu.memref_slice %arg6[%dma_wait3A_135] : memref<100096xf32, #tpu.memory_space<vmem>> -> memref<128xf32, #tpu.memory_space<vmem>>
      %dma_wait3A_137 = arith.constant 0 : i32
      %dma_wait3A_138 = tpu.memref_slice %arg4[%scan3A_90, %add3A, %dma_wait3A_137] : memref<26x32x128xf32, #tpu.memory_space<hbm>> -> memref<1x1x128xf32, #tpu.memory_space<hbm>>
      %dma_wait3A_139 = tpu.memref_squeeze %dma_wait3A_138 : memref<1x1x128xf32, #tpu.memory_space<hbm>> -> memref<128xf32, #tpu.memory_space<hbm>>
      tpu.wait_dma2 semaphore(%arg9 : memref<!tpu.dma_semaphore, #tpu.memory_space<semaphore_mem>>) src(%dma_wait3A_139 : memref<128xf32, #tpu.memory_space<hbm>>) dst(%dma_wait3A_136 : memref<128xf32, #tpu.memory_space<vmem>>)
      %scan3A_140 = arith.constant 0 : i32
      %scan3A_141 = arith.constant 0 : i32
      %scan3A_142 = arith.constant 32 : i32
      %scan3A_143 = arith.addi %scan3A_141, %scan3A_142 : i32
      %scan3A_144 = arith.constant 1 : i32
      scf.for %scan3A_160 = %scan3A_141 to %scan3A_143 step %scan3A_144  : i32 {
        %mul3A_161 = arith.constant 256 : i32
        %mul3A_162 = arith.muli %scan3A_160, %mul3A_161 : i32
        %add3A_163 = arith.constant 0 : i32
        %add3A_164 = arith.addi %mul3A_162, %add3A_163 : i32
        %get3A = arith.index_cast %add3A_164 : i32 to index
        %get3A_165 = tpu.vector_load %arg7[%get3A] {strides = array<i32>} : memref<8192xi32, #tpu.memory_space<vmem>>, vector<16xi32>,
        %gather3A = tpu.vector_load_idx %arg6[%get3A_165] : memref<100096xf32, #tpu.memory_space<vmem>>[vector<16xi32>], vector<16xf32>,
        %mul3A_166 = arith.constant 2 : i32
        %mul3A_167 = arith.muli %scan3A_160, %mul3A_166 : i32
        %add3A_168 = arith.constant 0 : i32
        %add3A_169 = arith.addi %add3A_168, %mul3A_167 : i32
        %add3A_170 = arith.constant 0 : i32
        %add3A_171 = arith.addi %add3A_169, %add3A_170 : i32
        %swap3A = arith.index_cast %add3A_171 : i32 to index
        %swap3A_172 = arith.constant 0 : index
        %swap3A_173 = tpu.vector_load %arg8[%swap3A, %swap3A_172] {strides = array<i32>} : memref<128x128xf32, #tpu.memory_space<vmem>>, vector<16xf32>,
        tpu.vector_store %arg8[%swap3A, %swap3A_172], %gather3A {strides = array<i32>} : memref<128x128xf32, #tpu.memory_space<vmem>>, vector<16xf32>,
        %mul3A_174 = arith.constant 256 : i32
        %mul3A_175 = arith.muli %scan3A_160, %mul3A_174 : i32
        %add3A_176 = arith.constant 16 : i32
        %add3A_177 = arith.addi %mul3A_175, %add3A_176 : i32
        %get3A_178 = arith.index_cast %add3A_177 : i32 to index
        %get3A_179 = tpu.vector_load %arg7[%get3A_178] {strides = array<i32>} : memref<8192xi32, #tpu.memory_space<vmem>>, vector<16xi32>,
        %gather3A_180 = tpu.vector_load_idx %arg6[%get3A_179] : memref<100096xf32, #tpu.memory_space<vmem>>[vector<16xi32>], vector<16xf32>,
        %mul3A_181 = arith.constant 2 : i32
        %mul3A_182 = arith.muli %scan3A_160, %mul3A_181 : i32
        %add3A_183 = arith.constant 0 : i32
        %add3A_184 = arith.addi %add3A_183, %mul3A_182 : i32
        %add3A_185 = arith.constant 0 : i32
        %add3A_186 = arith.addi %add3A_184, %add3A_185 : i32
        %swap3A_187 = arith.index_cast %add3A_186 : i32 to index
        %swap3A_188 = arith.constant 16 : index
        %swap3A_189 = tpu.vector_load %arg8[%swap3A_187, %swap3A_188] {strides = array<i32>} : memref<128x128xf32, #tpu.memory_space<vmem>>, vector<16xf32>,
        tpu.vector_store %arg8[%swap3A_187, %swap3A_188], %gather3A_180 {strides = array<i32>} : memref<128x128xf32, #tpu.memory_space<vmem>>, vector<16xf32>,
        %mul3A_190 = arith.constant 256 : i32
        %mul3A_191 = arith.muli %scan3A_160, %mul3A_190 : i32
        %add3A_192 = arith.constant 32 : i32
        %add3A_193 = arith.addi %mul3A_191, %add3A_192 : i32
        %get3A_194 = arith.index_cast %add3A_193 : i32 to index
        %get3A_195 = tpu.vector_load %arg7[%get3A_194] {strides = array<i32>} : memref<8192xi32, #tpu.memory_space<vmem>>, vector<16xi32>,
        %gather3A_196 = tpu.vector_load_idx %arg6[%get3A_195] : memref<100096xf32, #tpu.memory_space<vmem>>[vector<16xi32>], vector<16xf32>,
        %mul3A_197 = arith.constant 2 : i32
        %mul3A_198 = arith.muli %scan3A_160, %mul3A_197 : i32
        %add3A_199 = arith.constant 0 : i32
        %add3A_200 = arith.addi %add3A_199, %mul3A_198 : i32
        %add3A_201 = arith.constant 0 : i32
        %add3A_202 = arith.addi %add3A_200, %add3A_201 : i32
        %swap3A_203 = arith.index_cast %add3A_202 : i32 to index
        %swap3A_204 = arith.constant 32 : index
        %swap3A_205 = tpu.vector_load %arg8[%swap3A_203, %swap3A_204] {strides = array<i32>} : memref<128x128xf32, #tpu.memory_space<vmem>>, vector<16xf32>,
        tpu.vector_store %arg8[%swap3A_203, %swap3A_204], %gather3A_196 {strides = array<i32>} : memref<128x128xf32, #tpu.memory_space<vmem>>, vector<16xf32>,
        %mul3A_206 = arith.constant 256 : i32
        %mul3A_207 = arith.muli %scan3A_160, %mul3A_206 : i32
        %add3A_208 = arith.constant 48 : i32
        %add3A_209 = arith.addi %mul3A_207, %add3A_208 : i32
        %get3A_210 = arith.index_cast %add3A_209 : i32 to index
        %get3A_211 = tpu.vector_load %arg7[%get3A_210] {strides = array<i32>} : memref<8192xi32, #tpu.memory_space<vmem>>, vector<16xi32>,
        %gather3A_212 = tpu.vector_load_idx %arg6[%get3A_211] : memref<100096xf32, #tpu.memory_space<vmem>>[vector<16xi32>], vector<16xf32>,
        %mul3A_213 = arith.constant 2 : i32
        %mul3A_214 = arith.muli %scan3A_160, %mul3A_213 : i32
        %add3A_215 = arith.constant 0 : i32
        %add3A_216 = arith.addi %add3A_215, %mul3A_214 : i32
        %add3A_217 = arith.constant 0 : i32
        %add3A_218 = arith.addi %add3A_216, %add3A_217 : i32
        %swap3A_219 = arith.index_cast %add3A_218 : i32 to index
        %swap3A_220 = arith.constant 48 : index
        %swap3A_221 = tpu.vector_load %arg8[%swap3A_219, %swap3A_220] {strides = array<i32>} : memref<128x128xf32, #tpu.memory_space<vmem>>, vector<16xf32>,
        tpu.vector_store %arg8[%swap3A_219, %swap3A_220], %gather3A_212 {strides = array<i32>} : memref<128x128xf32, #tpu.memory_space<vmem>>, vector<16xf32>,
        %mul3A_222 = arith.constant 256 : i32
        %mul3A_223 = arith.muli %scan3A_160, %mul3A_222 : i32
        %add3A_224 = arith.constant 64 : i32
        %add3A_225 = arith.addi %mul3A_223, %add3A_224 : i32
        %get3A_226 = arith.index_cast %add3A_225 : i32 to index
        %get3A_227 = tpu.vector_load %arg7[%get3A_226] {strides = array<i32>} : memref<8192xi32, #tpu.memory_space<vmem>>, vector<16xi32>,
        %gather3A_228 = tpu.vector_load_idx %arg6[%get3A_227] : memref<100096xf32, #tpu.memory_space<vmem>>[vector<16xi32>], vector<16xf32>,
        %mul3A_229 = arith.constant 2 : i32
        %mul3A_230 = arith.muli %scan3A_160, %mul3A_229 : i32
        %add3A_231 = arith.constant 0 : i32
        %add3A_232 = arith.addi %add3A_231, %mul3A_230 : i32
        %add3A_233 = arith.constant 0 : i32
        %add3A_234 = arith.addi %add3A_232, %add3A_233 : i32
        %swap3A_235 = arith.index_cast %add3A_234 : i32 to index
        %swap3A_236 = arith.constant 64 : index
        %swap3A_237 = tpu.vector_load %arg8[%swap3A_235, %swap3A_236] {strides = array<i32>} : memref<128x128xf32, #tpu.memory_space<vmem>>, vector<16xf32>,
        tpu.vector_store %arg8[%swap3A_235, %swap3A_236], %gather3A_228 {strides = array<i32>} : memref<128x128xf32, #tpu.memory_space<vmem>>, vector<16xf32>,
        %mul3A_238 = arith.constant 256 : i32
        %mul3A_239 = arith.muli %scan3A_160, %mul3A_238 : i32
        %add3A_240 = arith.constant 80 : i32
        %add3A_241 = arith.addi %mul3A_239, %add3A_240 : i32
        %get3A_242 = arith.index_cast %add3A_241 : i32 to index
        %get3A_243 = tpu.vector_load %arg7[%get3A_242] {strides = array<i32>} : memref<8192xi32, #tpu.memory_space<vmem>>, vector<16xi32>,
        %gather3A_244 = tpu.vector_load_idx %arg6[%get3A_243] : memref<100096xf32, #tpu.memory_space<vmem>>[vector<16xi32>], vector<16xf32>,
        %mul3A_245 = arith.constant 2 : i32
        %mul3A_246 = arith.muli %scan3A_160, %mul3A_245 : i32
        %add3A_247 = arith.constant 0 : i32
        %add3A_248 = arith.addi %add3A_247, %mul3A_246 : i32
        %add3A_249 = arith.constant 0 : i32
        %add3A_250 = arith.addi %add3A_248, %add3A_249 : i32
        %swap3A_251 = arith.index_cast %add3A_250 : i32 to index
        %swap3A_252 = arith.constant 80 : index
        %swap3A_253 = tpu.vector_load %arg8[%swap3A_251, %swap3A_252] {strides = array<i32>} : memref<128x128xf32, #tpu.memory_space<vmem>>, vector<16xf32>,
        tpu.vector_store %arg8[%swap3A_251, %swap3A_252], %gather3A_244 {strides = array<i32>} : memref<128x128xf32, #tpu.memory_space<vmem>>, vector<16xf32>,
        %mul3A_254 = arith.constant 256 : i32
        %mul3A_255 = arith.muli %scan3A_160, %mul3A_254 : i32
        %add3A_256 = arith.constant 96 : i32
        %add3A_257 = arith.addi %mul3A_255, %add3A_256 : i32
        %get3A_258 = arith.index_cast %add3A_257 : i32 to index
        %get3A_259 = tpu.vector_load %arg7[%get3A_258] {strides = array<i32>} : memref<8192xi32, #tpu.memory_space<vmem>>, vector<16xi32>,
        %gather3A_260 = tpu.vector_load_idx %arg6[%get3A_259] : memref<100096xf32, #tpu.memory_space<vmem>>[vector<16xi32>], vector<16xf32>,
        %mul3A_261 = arith.constant 2 : i32
        %mul3A_262 = arith.muli %scan3A_160, %mul3A_261 : i32
        %add3A_263 = arith.constant 0 : i32
        %add3A_264 = arith.addi %add3A_263, %mul3A_262 : i32
        %add3A_265 = arith.constant 0 : i32
        %add3A_266 = arith.addi %add3A_264, %add3A_265 : i32
        %swap3A_267 = arith.index_cast %add3A_266 : i32 to index
        %swap3A_268 = arith.constant 96 : index
        %swap3A_269 = tpu.vector_load %arg8[%swap3A_267, %swap3A_268] {strides = array<i32>} : memref<128x128xf32, #tpu.memory_space<vmem>>, vector<16xf32>,
        tpu.vector_store %arg8[%swap3A_267, %swap3A_268], %gather3A_260 {strides = array<i32>} : memref<128x128xf32, #tpu.memory_space<vmem>>, vector<16xf32>,
        %mul3A_270 = arith.constant 256 : i32
        %mul3A_271 = arith.muli %scan3A_160, %mul3A_270 : i32
        %add3A_272 = arith.constant 112 : i32
        %add3A_273 = arith.addi %mul3A_271, %add3A_272 : i32
        %get3A_274 = arith.index_cast %add3A_273 : i32 to index
        %get3A_275 = tpu.vector_load %arg7[%get3A_274] {strides = array<i32>} : memref<8192xi32, #tpu.memory_space<vmem>>, vector<16xi32>,
        %gather3A_276 = tpu.vector_load_idx %arg6[%get3A_275] : memref<100096xf32, #tpu.memory_space<vmem>>[vector<16xi32>], vector<16xf32>,
        %mul3A_277 = arith.constant 2 : i32
        %mul3A_278 = arith.muli %scan3A_160, %mul3A_277 : i32
        %add3A_279 = arith.constant 0 : i32
        %add3A_280 = arith.addi %add3A_279, %mul3A_278 : i32
        %add3A_281 = arith.constant 0 : i32
        %add3A_282 = arith.addi %add3A_280, %add3A_281 : i32
        %swap3A_283 = arith.index_cast %add3A_282 : i32 to index
        %swap3A_284 = arith.constant 112 : index
        %swap3A_285 = tpu.vector_load %arg8[%swap3A_283, %swap3A_284] {strides = array<i32>} : memref<128x128xf32, #tpu.memory_space<vmem>>, vector<16xf32>,
        tpu.vector_store %arg8[%swap3A_283, %swap3A_284], %gather3A_276 {strides = array<i32>} : memref<128x128xf32, #tpu.memory_space<vmem>>, vector<16xf32>,
        %mul3A_286 = arith.constant 256 : i32
        %mul3A_287 = arith.muli %scan3A_160, %mul3A_286 : i32
        %add3A_288 = arith.constant 128 : i32
        %add3A_289 = arith.addi %mul3A_287, %add3A_288 : i32
        %get3A_290 = arith.index_cast %add3A_289 : i32 to index
        %get3A_291 = tpu.vector_load %arg7[%get3A_290] {strides = array<i32>} : memref<8192xi32, #tpu.memory_space<vmem>>, vector<16xi32>,
        %gather3A_292 = tpu.vector_load_idx %arg6[%get3A_291] : memref<100096xf32, #tpu.memory_space<vmem>>[vector<16xi32>], vector<16xf32>,
        %mul3A_293 = arith.constant 2 : i32
        %mul3A_294 = arith.muli %scan3A_160, %mul3A_293 : i32
        %add3A_295 = arith.constant 0 : i32
        %add3A_296 = arith.addi %add3A_295, %mul3A_294 : i32
        %add3A_297 = arith.constant 1 : i32
        %add3A_298 = arith.addi %add3A_296, %add3A_297 : i32
        %swap3A_299 = arith.index_cast %add3A_298 : i32 to index
        %swap3A_300 = arith.constant 0 : index
        %swap3A_301 = tpu.vector_load %arg8[%swap3A_299, %swap3A_300] {strides = array<i32>} : memref<128x128xf32, #tpu.memory_space<vmem>>, vector<16xf32>,
        tpu.vector_store %arg8[%swap3A_299, %swap3A_300], %gather3A_292 {strides = array<i32>} : memref<128x128xf32, #tpu.memory_space<vmem>>, vector<16xf32>,
        %mul3A_302 = arith.constant 256 : i32
        %mul3A_303 = arith.muli %scan3A_160, %mul3A_302 : i32
        %add3A_304 = arith.constant 144 : i32
        %add3A_305 = arith.addi %mul3A_303, %add3A_304 : i32
        %get3A_306 = arith.index_cast %add3A_305 : i32 to index
        %get3A_307 = tpu.vector_load %arg7[%get3A_306] {strides = array<i32>} : memref<8192xi32, #tpu.memory_space<vmem>>, vector<16xi32>,
        %gather3A_308 = tpu.vector_load_idx %arg6[%get3A_307] : memref<100096xf32, #tpu.memory_space<vmem>>[vector<16xi32>], vector<16xf32>,
        %mul3A_309 = arith.constant 2 : i32
        %mul3A_310 = arith.muli %scan3A_160, %mul3A_309 : i32
        %add3A_311 = arith.constant 0 : i32
        %add3A_312 = arith.addi %add3A_311, %mul3A_310 : i32
        %add3A_313 = arith.constant 1 : i32
        %add3A_314 = arith.addi %add3A_312, %add3A_313 : i32
        %swap3A_315 = arith.index_cast %add3A_314 : i32 to index
        %swap3A_316 = arith.constant 16 : index
        %swap3A_317 = tpu.vector_load %arg8[%swap3A_315, %swap3A_316] {strides = array<i32>} : memref<128x128xf32, #tpu.memory_space<vmem>>, vector<16xf32>,
        tpu.vector_store %arg8[%swap3A_315, %swap3A_316], %gather3A_308 {strides = array<i32>} : memref<128x128xf32, #tpu.memory_space<vmem>>, vector<16xf32>,
        %mul3A_318 = arith.constant 256 : i32
        %mul3A_319 = arith.muli %scan3A_160, %mul3A_318 : i32
        %add3A_320 = arith.constant 160 : i32
        %add3A_321 = arith.addi %mul3A_319, %add3A_320 : i32
        %get3A_322 = arith.index_cast %add3A_321 : i32 to index
        %get3A_323 = tpu.vector_load %arg7[%get3A_322] {strides = array<i32>} : memref<8192xi32, #tpu.memory_space<vmem>>, vector<16xi32>,
        %gather3A_324 = tpu.vector_load_idx %arg6[%get3A_323] : memref<100096xf32, #tpu.memory_space<vmem>>[vector<16xi32>], vector<16xf32>,
        %mul3A_325 = arith.constant 2 : i32
        %mul3A_326 = arith.muli %scan3A_160, %mul3A_325 : i32
        %add3A_327 = arith.constant 0 : i32
        %add3A_328 = arith.addi %add3A_327, %mul3A_326 : i32
        %add3A_329 = arith.constant 1 : i32
        %add3A_330 = arith.addi %add3A_328, %add3A_329 : i32
        %swap3A_331 = arith.index_cast %add3A_330 : i32 to index
        %swap3A_332 = arith.constant 32 : index
        %swap3A_333 = tpu.vector_load %arg8[%swap3A_331, %swap3A_332] {strides = array<i32>} : memref<128x128xf32, #tpu.memory_space<vmem>>, vector<16xf32>,
        tpu.vector_store %arg8[%swap3A_331, %swap3A_332], %gather3A_324 {strides = array<i32>} : memref<128x128xf32, #tpu.memory_space<vmem>>, vector<16xf32>,
        %mul3A_334 = arith.constant 256 : i32
        %mul3A_335 = arith.muli %scan3A_160, %mul3A_334 : i32
        %add3A_336 = arith.constant 176 : i32
        %add3A_337 = arith.addi %mul3A_335, %add3A_336 : i32
        %get3A_338 = arith.index_cast %add3A_337 : i32 to index
        %get3A_339 = tpu.vector_load %arg7[%get3A_338] {strides = array<i32>} : memref<8192xi32, #tpu.memory_space<vmem>>, vector<16xi32>,
        %gather3A_340 = tpu.vector_load_idx %arg6[%get3A_339] : memref<100096xf32, #tpu.memory_space<vmem>>[vector<16xi32>], vector<16xf32>,
        %mul3A_341 = arith.constant 2 : i32
        %mul3A_342 = arith.muli %scan3A_160, %mul3A_341 : i32
        %add3A_343 = arith.constant 0 : i32
        %add3A_344 = arith.addi %add3A_343, %mul3A_342 : i32
        %add3A_345 = arith.constant 1 : i32
        %add3A_346 = arith.addi %add3A_344, %add3A_345 : i32
        %swap3A_347 = arith.index_cast %add3A_346 : i32 to index
        %swap3A_348 = arith.constant 48 : index
        %swap3A_349 = tpu.vector_load %arg8[%swap3A_347, %swap3A_348] {strides = array<i32>} : memref<128x128xf32, #tpu.memory_space<vmem>>, vector<16xf32>,
        tpu.vector_store %arg8[%swap3A_347, %swap3A_348], %gather3A_340 {strides = array<i32>} : memref<128x128xf32, #tpu.memory_space<vmem>>, vector<16xf32>,
        %mul3A_350 = arith.constant 256 : i32
        %mul3A_351 = arith.muli %scan3A_160, %mul3A_350 : i32
        %add3A_352 = arith.constant 192 : i32
        %add3A_353 = arith.addi %mul3A_351, %add3A_352 : i32
        %get3A_354 = arith.index_cast %add3A_353 : i32 to index
        %get3A_355 = tpu.vector_load %arg7[%get3A_354] {strides = array<i32>} : memref<8192xi32, #tpu.memory_space<vmem>>, vector<16xi32>,
        %gather3A_356 = tpu.vector_load_idx %arg6[%get3A_355] : memref<100096xf32, #tpu.memory_space<vmem>>[vector<16xi32>], vector<16xf32>,
        %mul3A_357 = arith.constant 2 : i32
        %mul3A_358 = arith.muli %scan3A_160, %mul3A_357 : i32
        %add3A_359 = arith.constant 0 : i32
        %add3A_360 = arith.addi %add3A_359, %mul3A_358 : i32
        %add3A_361 = arith.constant 1 : i32
        %add3A_362 = arith.addi %add3A_360, %add3A_361 : i32
        %swap3A_363 = arith.index_cast %add3A_362 : i32 to index
        %swap3A_364 = arith.constant 64 : index
        %swap3A_365 = tpu.vector_load %arg8[%swap3A_363, %swap3A_364] {strides = array<i32>} : memref<128x128xf32, #tpu.memory_space<vmem>>, vector<16xf32>,
        tpu.vector_store %arg8[%swap3A_363, %swap3A_364], %gather3A_356 {strides = array<i32>} : memref<128x128xf32, #tpu.memory_space<vmem>>, vector<16xf32>,
        %mul3A_366 = arith.constant 256 : i32
        %mul3A_367 = arith.muli %scan3A_160, %mul3A_366 : i32
        %add3A_368 = arith.constant 208 : i32
        %add3A_369 = arith.addi %mul3A_367, %add3A_368 : i32
        %get3A_370 = arith.index_cast %add3A_369 : i32 to index
        %get3A_371 = tpu.vector_load %arg7[%get3A_370] {strides = array<i32>} : memref<8192xi32, #tpu.memory_space<vmem>>, vector<16xi32>,
        %gather3A_372 = tpu.vector_load_idx %arg6[%get3A_371] : memref<100096xf32, #tpu.memory_space<vmem>>[vector<16xi32>], vector<16xf32>,
        %mul3A_373 = arith.constant 2 : i32
        %mul3A_374 = arith.muli %scan3A_160, %mul3A_373 : i32
        %add3A_375 = arith.constant 0 : i32
        %add3A_376 = arith.addi %add3A_375, %mul3A_374 : i32
        %add3A_377 = arith.constant 1 : i32
        %add3A_378 = arith.addi %add3A_376, %add3A_377 : i32
        %swap3A_379 = arith.index_cast %add3A_378 : i32 to index
        %swap3A_380 = arith.constant 80 : index
        %swap3A_381 = tpu.vector_load %arg8[%swap3A_379, %swap3A_380] {strides = array<i32>} : memref<128x128xf32, #tpu.memory_space<vmem>>, vector<16xf32>,
        tpu.vector_store %arg8[%swap3A_379, %swap3A_380], %gather3A_372 {strides = array<i32>} : memref<128x128xf32, #tpu.memory_space<vmem>>, vector<16xf32>,
        %mul3A_382 = arith.constant 256 : i32
        %mul3A_383 = arith.muli %scan3A_160, %mul3A_382 : i32
        %add3A_384 = arith.constant 224 : i32
        %add3A_385 = arith.addi %mul3A_383, %add3A_384 : i32
        %get3A_386 = arith.index_cast %add3A_385 : i32 to index
        %get3A_387 = tpu.vector_load %arg7[%get3A_386] {strides = array<i32>} : memref<8192xi32, #tpu.memory_space<vmem>>, vector<16xi32>,
        %gather3A_388 = tpu.vector_load_idx %arg6[%get3A_387] : memref<100096xf32, #tpu.memory_space<vmem>>[vector<16xi32>], vector<16xf32>,
        %mul3A_389 = arith.constant 2 : i32
        %mul3A_390 = arith.muli %scan3A_160, %mul3A_389 : i32
        %add3A_391 = arith.constant 0 : i32
        %add3A_392 = arith.addi %add3A_391, %mul3A_390 : i32
        %add3A_393 = arith.constant 1 : i32
        %add3A_394 = arith.addi %add3A_392, %add3A_393 : i32
        %swap3A_395 = arith.index_cast %add3A_394 : i32 to index
        %swap3A_396 = arith.constant 96 : index
        %swap3A_397 = tpu.vector_load %arg8[%swap3A_395, %swap3A_396] {strides = array<i32>} : memref<128x128xf32, #tpu.memory_space<vmem>>, vector<16xf32>,
        tpu.vector_store %arg8[%swap3A_395, %swap3A_396], %gather3A_388 {strides = array<i32>} : memref<128x128xf32, #tpu.memory_space<vmem>>, vector<16xf32>,
        %mul3A_398 = arith.constant 256 : i32
        %mul3A_399 = arith.muli %scan3A_160, %mul3A_398 : i32
        %add3A_400 = arith.constant 240 : i32
        %add3A_401 = arith.addi %mul3A_399, %add3A_400 : i32
        %get3A_402 = arith.index_cast %add3A_401 : i32 to index
        %get3A_403 = tpu.vector_load %arg7[%get3A_402] {strides = array<i32>} : memref<8192xi32, #tpu.memory_space<vmem>>, vector<16xi32>,
        %gather3A_404 = tpu.vector_load_idx %arg6[%get3A_403] : memref<100096xf32, #tpu.memory_space<vmem>>[vector<16xi32>], vector<16xf32>,
        %mul3A_405 = arith.constant 2 : i32
        %mul3A_406 = arith.muli %scan3A_160, %mul3A_405 : i32
        %add3A_407 = arith.constant 0 : i32
        %add3A_408 = arith.addi %add3A_407, %mul3A_406 : i32
        %add3A_409 = arith.constant 1 : i32
        %add3A_410 = arith.addi %add3A_408, %add3A_409 : i32
        %swap3A_411 = arith.index_cast %add3A_410 : i32 to index
        %swap3A_412 = arith.constant 112 : index
        %swap3A_413 = tpu.vector_load %arg8[%swap3A_411, %swap3A_412] {strides = array<i32>} : memref<128x128xf32, #tpu.memory_space<vmem>>, vector<16xf32>,
        tpu.vector_store %arg8[%swap3A_411, %swap3A_412], %gather3A_404 {strides = array<i32>} : memref<128x128xf32, #tpu.memory_space<vmem>>, vector<16xf32>,
      }
      %scan3A_145 = arith.constant 32 : i32
      "tpu.region"() ({
        %run_scoped3A = tpu.sem_alloc : memref<!tpu.dma_semaphore, #tpu.memory_space<semaphore_mem>>
        %dma_start3A_160 = arith.constant 8192 : i32
        %dma_start3A_161 = tpu.memref_slice %arg3[%scan3A_90, %dma_start3A_160] : memref<26x16384xi32, #tpu.memory_space<hbm>> -> memref<1x8192xi32, #tpu.memory_space<hbm>>
        %dma_start3A_162 = tpu.memref_squeeze %dma_start3A_161 : memref<1x8192xi32, #tpu.memory_space<hbm>> -> memref<8192xi32, #tpu.memory_space<hbm>>
        %dma_start3A_163 = arith.constant 8192 : i32
        %dma_start3A_164 = tpu.memref_slice %arg3[%scan3A_90, %dma_start3A_163] : memref<26x16384xi32, #tpu.memory_space<hbm>> -> memref<1x8192xi32, #tpu.memory_space<hbm>>
        %dma_start3A_165 = tpu.memref_squeeze %dma_start3A_164 : memref<1x8192xi32, #tpu.memory_space<hbm>> -> memref<8192xi32, #tpu.memory_space<hbm>>
        tpu.enqueue_dma source(%dma_start3A_165 : memref<8192xi32, #tpu.memory_space<hbm>>) target(%arg7 : memref<8192xi32, #tpu.memory_space<vmem>>) target_semaphore(%run_scoped3A : memref<!tpu.dma_semaphore, #tpu.memory_space<semaphore_mem>>)
        %dma_wait3A_166 = arith.constant 8192 : i32
        %dma_wait3A_167 = tpu.memref_slice %arg3[%scan3A_90, %dma_wait3A_166] : memref<26x16384xi32, #tpu.memory_space<hbm>> -> memref<1x8192xi32, #tpu.memory_space<hbm>>
        %dma_wait3A_168 = tpu.memref_squeeze %dma_wait3A_167 : memref<1x8192xi32, #tpu.memory_space<hbm>> -> memref<8192xi32, #tpu.memory_space<hbm>>
        %dma_wait3A_169 = arith.constant 8192 : i32
        %dma_wait3A_170 = tpu.memref_slice %arg3[%scan3A_90, %dma_wait3A_169] : memref<26x16384xi32, #tpu.memory_space<hbm>> -> memref<1x8192xi32, #tpu.memory_space<hbm>>
        %dma_wait3A_171 = tpu.memref_squeeze %dma_wait3A_170 : memref<1x8192xi32, #tpu.memory_space<hbm>> -> memref<8192xi32, #tpu.memory_space<hbm>>
        tpu.wait_dma2 semaphore(%run_scoped3A : memref<!tpu.dma_semaphore, #tpu.memory_space<semaphore_mem>>) src(%dma_wait3A_171 : memref<8192xi32, #tpu.memory_space<hbm>>) dst(%arg7 : memref<8192xi32, #tpu.memory_space<vmem>>)
        tpu.yield
      }) : () -> ()
      %scan3A_146 = arith.constant 0 : i32
      %scan3A_147 = arith.constant 0 : i32
      %scan3A_148 = arith.constant 32 : i32
      %scan3A_149 = arith.addi %scan3A_147, %scan3A_148 : i32
      %scan3A_150 = arith.constant 1 : i32
      scf.for %scan3A_160 = %scan3A_147 to %scan3A_149 step %scan3A_150  : i32 {
        %mul3A_161 = arith.constant 256 : i32
        %mul3A_162 = arith.muli %scan3A_160, %mul3A_161 : i32
        %add3A_163 = arith.constant 0 : i32
        %add3A_164 = arith.addi %mul3A_162, %add3A_163 : i32
        %get3A = arith.index_cast %add3A_164 : i32 to index
        %get3A_165 = tpu.vector_load %arg7[%get3A] {strides = array<i32>} : memref<8192xi32, #tpu.memory_space<vmem>>, vector<16xi32>,
        %gather3A = tpu.vector_load_idx %arg6[%get3A_165] : memref<100096xf32, #tpu.memory_space<vmem>>[vector<16xi32>], vector<16xf32>,
        %mul3A_166 = arith.constant 2 : i32
        %mul3A_167 = arith.muli %scan3A_160, %mul3A_166 : i32
        %add3A_168 = arith.constant 64 : i32
        %add3A_169 = arith.addi %add3A_168, %mul3A_167 : i32
        %add3A_170 = arith.constant 0 : i32
        %add3A_171 = arith.addi %add3A_169, %add3A_170 : i32
        %swap3A = arith.index_cast %add3A_171 : i32 to index
        %swap3A_172 = arith.constant 0 : index
        %swap3A_173 = tpu.vector_load %arg8[%swap3A, %swap3A_172] {strides = array<i32>} : memref<128x128xf32, #tpu.memory_space<vmem>>, vector<16xf32>,
        tpu.vector_store %arg8[%swap3A, %swap3A_172], %gather3A {strides = array<i32>} : memref<128x128xf32, #tpu.memory_space<vmem>>, vector<16xf32>,
        %mul3A_174 = arith.constant 256 : i32
        %mul3A_175 = arith.muli %scan3A_160, %mul3A_174 : i32
        %add3A_176 = arith.constant 16 : i32
        %add3A_177 = arith.addi %mul3A_175, %add3A_176 : i32
        %get3A_178 = arith.index_cast %add3A_177 : i32 to index
        %get3A_179 = tpu.vector_load %arg7[%get3A_178] {strides = array<i32>} : memref<8192xi32, #tpu.memory_space<vmem>>, vector<16xi32>,
        %gather3A_180 = tpu.vector_load_idx %arg6[%get3A_179] : memref<100096xf32, #tpu.memory_space<vmem>>[vector<16xi32>], vector<16xf32>,
        %mul3A_181 = arith.constant 2 : i32
        %mul3A_182 = arith.muli %scan3A_160, %mul3A_181 : i32
        %add3A_183 = arith.constant 64 : i32
        %add3A_184 = arith.addi %add3A_183, %mul3A_182 : i32
        %add3A_185 = arith.constant 0 : i32
        %add3A_186 = arith.addi %add3A_184, %add3A_185 : i32
        %swap3A_187 = arith.index_cast %add3A_186 : i32 to index
        %swap3A_188 = arith.constant 16 : index
        %swap3A_189 = tpu.vector_load %arg8[%swap3A_187, %swap3A_188] {strides = array<i32>} : memref<128x128xf32, #tpu.memory_space<vmem>>, vector<16xf32>,
        tpu.vector_store %arg8[%swap3A_187, %swap3A_188], %gather3A_180 {strides = array<i32>} : memref<128x128xf32, #tpu.memory_space<vmem>>, vector<16xf32>,
        %mul3A_190 = arith.constant 256 : i32
        %mul3A_191 = arith.muli %scan3A_160, %mul3A_190 : i32
        %add3A_192 = arith.constant 32 : i32
        %add3A_193 = arith.addi %mul3A_191, %add3A_192 : i32
        %get3A_194 = arith.index_cast %add3A_193 : i32 to index
        %get3A_195 = tpu.vector_load %arg7[%get3A_194] {strides = array<i32>} : memref<8192xi32, #tpu.memory_space<vmem>>, vector<16xi32>,
        %gather3A_196 = tpu.vector_load_idx %arg6[%get3A_195] : memref<100096xf32, #tpu.memory_space<vmem>>[vector<16xi32>], vector<16xf32>,
        %mul3A_197 = arith.constant 2 : i32
        %mul3A_198 = arith.muli %scan3A_160, %mul3A_197 : i32
        %add3A_199 = arith.constant 64 : i32
        %add3A_200 = arith.addi %add3A_199, %mul3A_198 : i32
        %add3A_201 = arith.constant 0 : i32
        %add3A_202 = arith.addi %add3A_200, %add3A_201 : i32
        %swap3A_203 = arith.index_cast %add3A_202 : i32 to index
        %swap3A_204 = arith.constant 32 : index
        %swap3A_205 = tpu.vector_load %arg8[%swap3A_203, %swap3A_204] {strides = array<i32>} : memref<128x128xf32, #tpu.memory_space<vmem>>, vector<16xf32>,
        tpu.vector_store %arg8[%swap3A_203, %swap3A_204], %gather3A_196 {strides = array<i32>} : memref<128x128xf32, #tpu.memory_space<vmem>>, vector<16xf32>,
        %mul3A_206 = arith.constant 256 : i32
        %mul3A_207 = arith.muli %scan3A_160, %mul3A_206 : i32
        %add3A_208 = arith.constant 48 : i32
        %add3A_209 = arith.addi %mul3A_207, %add3A_208 : i32
        %get3A_210 = arith.index_cast %add3A_209 : i32 to index
        %get3A_211 = tpu.vector_load %arg7[%get3A_210] {strides = array<i32>} : memref<8192xi32, #tpu.memory_space<vmem>>, vector<16xi32>,
        %gather3A_212 = tpu.vector_load_idx %arg6[%get3A_211] : memref<100096xf32, #tpu.memory_space<vmem>>[vector<16xi32>], vector<16xf32>,
        %mul3A_213 = arith.constant 2 : i32
        %mul3A_214 = arith.muli %scan3A_160, %mul3A_213 : i32
        %add3A_215 = arith.constant 64 : i32
        %add3A_216 = arith.addi %add3A_215, %mul3A_214 : i32
        %add3A_217 = arith.constant 0 : i32
        %add3A_218 = arith.addi %add3A_216, %add3A_217 : i32
        %swap3A_219 = arith.index_cast %add3A_218 : i32 to index
        %swap3A_220 = arith.constant 48 : index
        %swap3A_221 = tpu.vector_load %arg8[%swap3A_219, %swap3A_220] {strides = array<i32>} : memref<128x128xf32, #tpu.memory_space<vmem>>, vector<16xf32>,
        tpu.vector_store %arg8[%swap3A_219, %swap3A_220], %gather3A_212 {strides = array<i32>} : memref<128x128xf32, #tpu.memory_space<vmem>>, vector<16xf32>,
        %mul3A_222 = arith.constant 256 : i32
        %mul3A_223 = arith.muli %scan3A_160, %mul3A_222 : i32
        %add3A_224 = arith.constant 64 : i32
        %add3A_225 = arith.addi %mul3A_223, %add3A_224 : i32
        %get3A_226 = arith.index_cast %add3A_225 : i32 to index
        %get3A_227 = tpu.vector_load %arg7[%get3A_226] {strides = array<i32>} : memref<8192xi32, #tpu.memory_space<vmem>>, vector<16xi32>,
        %gather3A_228 = tpu.vector_load_idx %arg6[%get3A_227] : memref<100096xf32, #tpu.memory_space<vmem>>[vector<16xi32>], vector<16xf32>,
        %mul3A_229 = arith.constant 2 : i32
        %mul3A_230 = arith.muli %scan3A_160, %mul3A_229 : i32
        %add3A_231 = arith.constant 64 : i32
        %add3A_232 = arith.addi %add3A_231, %mul3A_230 : i32
        %add3A_233 = arith.constant 0 : i32
        %add3A_234 = arith.addi %add3A_232, %add3A_233 : i32
        %swap3A_235 = arith.index_cast %add3A_234 : i32 to index
        %swap3A_236 = arith.constant 64 : index
        %swap3A_237 = tpu.vector_load %arg8[%swap3A_235, %swap3A_236] {strides = array<i32>} : memref<128x128xf32, #tpu.memory_space<vmem>>, vector<16xf32>,
        tpu.vector_store %arg8[%swap3A_235, %swap3A_236], %gather3A_228 {strides = array<i32>} : memref<128x128xf32, #tpu.memory_space<vmem>>, vector<16xf32>,
        %mul3A_238 = arith.constant 256 : i32
        %mul3A_239 = arith.muli %scan3A_160, %mul3A_238 : i32
        %add3A_240 = arith.constant 80 : i32
        %add3A_241 = arith.addi %mul3A_239, %add3A_240 : i32
        %get3A_242 = arith.index_cast %add3A_241 : i32 to index
        %get3A_243 = tpu.vector_load %arg7[%get3A_242] {strides = array<i32>} : memref<8192xi32, #tpu.memory_space<vmem>>, vector<16xi32>,
        %gather3A_244 = tpu.vector_load_idx %arg6[%get3A_243] : memref<100096xf32, #tpu.memory_space<vmem>>[vector<16xi32>], vector<16xf32>,
        %mul3A_245 = arith.constant 2 : i32
        %mul3A_246 = arith.muli %scan3A_160, %mul3A_245 : i32
        %add3A_247 = arith.constant 64 : i32
        %add3A_248 = arith.addi %add3A_247, %mul3A_246 : i32
        %add3A_249 = arith.constant 0 : i32
        %add3A_250 = arith.addi %add3A_248, %add3A_249 : i32
        %swap3A_251 = arith.index_cast %add3A_250 : i32 to index
        %swap3A_252 = arith.constant 80 : index
        %swap3A_253 = tpu.vector_load %arg8[%swap3A_251, %swap3A_252] {strides = array<i32>} : memref<128x128xf32, #tpu.memory_space<vmem>>, vector<16xf32>,
        tpu.vector_store %arg8[%swap3A_251, %swap3A_252], %gather3A_244 {strides = array<i32>} : memref<128x128xf32, #tpu.memory_space<vmem>>, vector<16xf32>,
        %mul3A_254 = arith.constant 256 : i32
        %mul3A_255 = arith.muli %scan3A_160, %mul3A_254 : i32
        %add3A_256 = arith.constant 96 : i32
        %add3A_257 = arith.addi %mul3A_255, %add3A_256 : i32
        %get3A_258 = arith.index_cast %add3A_257 : i32 to index
        %get3A_259 = tpu.vector_load %arg7[%get3A_258] {strides = array<i32>} : memref<8192xi32, #tpu.memory_space<vmem>>, vector<16xi32>,
        %gather3A_260 = tpu.vector_load_idx %arg6[%get3A_259] : memref<100096xf32, #tpu.memory_space<vmem>>[vector<16xi32>], vector<16xf32>,
        %mul3A_261 = arith.constant 2 : i32
        %mul3A_262 = arith.muli %scan3A_160, %mul3A_261 : i32
        %add3A_263 = arith.constant 64 : i32
        %add3A_264 = arith.addi %add3A_263, %mul3A_262 : i32
        %add3A_265 = arith.constant 0 : i32
        %add3A_266 = arith.addi %add3A_264, %add3A_265 : i32
        %swap3A_267 = arith.index_cast %add3A_266 : i32 to index
        %swap3A_268 = arith.constant 96 : index
        %swap3A_269 = tpu.vector_load %arg8[%swap3A_267, %swap3A_268] {strides = array<i32>} : memref<128x128xf32, #tpu.memory_space<vmem>>, vector<16xf32>,
        tpu.vector_store %arg8[%swap3A_267, %swap3A_268], %gather3A_260 {strides = array<i32>} : memref<128x128xf32, #tpu.memory_space<vmem>>, vector<16xf32>,
        %mul3A_270 = arith.constant 256 : i32
        %mul3A_271 = arith.muli %scan3A_160, %mul3A_270 : i32
        %add3A_272 = arith.constant 112 : i32
        %add3A_273 = arith.addi %mul3A_271, %add3A_272 : i32
        %get3A_274 = arith.index_cast %add3A_273 : i32 to index
        %get3A_275 = tpu.vector_load %arg7[%get3A_274] {strides = array<i32>} : memref<8192xi32, #tpu.memory_space<vmem>>, vector<16xi32>,
        %gather3A_276 = tpu.vector_load_idx %arg6[%get3A_275] : memref<100096xf32, #tpu.memory_space<vmem>>[vector<16xi32>], vector<16xf32>,
        %mul3A_277 = arith.constant 2 : i32
        %mul3A_278 = arith.muli %scan3A_160, %mul3A_277 : i32
        %add3A_279 = arith.constant 64 : i32
        %add3A_280 = arith.addi %add3A_279, %mul3A_278 : i32
        %add3A_281 = arith.constant 0 : i32
        %add3A_282 = arith.addi %add3A_280, %add3A_281 : i32
        %swap3A_283 = arith.index_cast %add3A_282 : i32 to index
        %swap3A_284 = arith.constant 112 : index
        %swap3A_285 = tpu.vector_load %arg8[%swap3A_283, %swap3A_284] {strides = array<i32>} : memref<128x128xf32, #tpu.memory_space<vmem>>, vector<16xf32>,
        tpu.vector_store %arg8[%swap3A_283, %swap3A_284], %gather3A_276 {strides = array<i32>} : memref<128x128xf32, #tpu.memory_space<vmem>>, vector<16xf32>,
        %mul3A_286 = arith.constant 256 : i32
        %mul3A_287 = arith.muli %scan3A_160, %mul3A_286 : i32
        %add3A_288 = arith.constant 128 : i32
        %add3A_289 = arith.addi %mul3A_287, %add3A_288 : i32
        %get3A_290 = arith.index_cast %add3A_289 : i32 to index
        %get3A_291 = tpu.vector_load %arg7[%get3A_290] {strides = array<i32>} : memref<8192xi32, #tpu.memory_space<vmem>>, vector<16xi32>,
        %gather3A_292 = tpu.vector_load_idx %arg6[%get3A_291] : memref<100096xf32, #tpu.memory_space<vmem>>[vector<16xi32>], vector<16xf32>,
        %mul3A_293 = arith.constant 2 : i32
        %mul3A_294 = arith.muli %scan3A_160, %mul3A_293 : i32
        %add3A_295 = arith.constant 64 : i32
        %add3A_296 = arith.addi %add3A_295, %mul3A_294 : i32
        %add3A_297 = arith.constant 1 : i32
        %add3A_298 = arith.addi %add3A_296, %add3A_297 : i32
        %swap3A_299 = arith.index_cast %add3A_298 : i32 to index
        %swap3A_300 = arith.constant 0 : index
        %swap3A_301 = tpu.vector_load %arg8[%swap3A_299, %swap3A_300] {strides = array<i32>} : memref<128x128xf32, #tpu.memory_space<vmem>>, vector<16xf32>,
        tpu.vector_store %arg8[%swap3A_299, %swap3A_300], %gather3A_292 {strides = array<i32>} : memref<128x128xf32, #tpu.memory_space<vmem>>, vector<16xf32>,
        %mul3A_302 = arith.constant 256 : i32
        %mul3A_303 = arith.muli %scan3A_160, %mul3A_302 : i32
        %add3A_304 = arith.constant 144 : i32
        %add3A_305 = arith.addi %mul3A_303, %add3A_304 : i32
        %get3A_306 = arith.index_cast %add3A_305 : i32 to index
        %get3A_307 = tpu.vector_load %arg7[%get3A_306] {strides = array<i32>} : memref<8192xi32, #tpu.memory_space<vmem>>, vector<16xi32>,
        %gather3A_308 = tpu.vector_load_idx %arg6[%get3A_307] : memref<100096xf32, #tpu.memory_space<vmem>>[vector<16xi32>], vector<16xf32>,
        %mul3A_309 = arith.constant 2 : i32
        %mul3A_310 = arith.muli %scan3A_160, %mul3A_309 : i32
        %add3A_311 = arith.constant 64 : i32
        %add3A_312 = arith.addi %add3A_311, %mul3A_310 : i32
        %add3A_313 = arith.constant 1 : i32
        %add3A_314 = arith.addi %add3A_312, %add3A_313 : i32
        %swap3A_315 = arith.index_cast %add3A_314 : i32 to index
        %swap3A_316 = arith.constant 16 : index
        %swap3A_317 = tpu.vector_load %arg8[%swap3A_315, %swap3A_316] {strides = array<i32>} : memref<128x128xf32, #tpu.memory_space<vmem>>, vector<16xf32>,
        tpu.vector_store %arg8[%swap3A_315, %swap3A_316], %gather3A_308 {strides = array<i32>} : memref<128x128xf32, #tpu.memory_space<vmem>>, vector<16xf32>,
        %mul3A_318 = arith.constant 256 : i32
        %mul3A_319 = arith.muli %scan3A_160, %mul3A_318 : i32
        %add3A_320 = arith.constant 160 : i32
        %add3A_321 = arith.addi %mul3A_319, %add3A_320 : i32
        %get3A_322 = arith.index_cast %add3A_321 : i32 to index
        %get3A_323 = tpu.vector_load %arg7[%get3A_322] {strides = array<i32>} : memref<8192xi32, #tpu.memory_space<vmem>>, vector<16xi32>,
        %gather3A_324 = tpu.vector_load_idx %arg6[%get3A_323] : memref<100096xf32, #tpu.memory_space<vmem>>[vector<16xi32>], vector<16xf32>,
        %mul3A_325 = arith.constant 2 : i32
        %mul3A_326 = arith.muli %scan3A_160, %mul3A_325 : i32
        %add3A_327 = arith.constant 64 : i32
        %add3A_328 = arith.addi %add3A_327, %mul3A_326 : i32
        %add3A_329 = arith.constant 1 : i32
        %add3A_330 = arith.addi %add3A_328, %add3A_329 : i32
        %swap3A_331 = arith.index_cast %add3A_330 : i32 to index
        %swap3A_332 = arith.constant 32 : index
        %swap3A_333 = tpu.vector_load %arg8[%swap3A_331, %swap3A_332] {strides = array<i32>} : memref<128x128xf32, #tpu.memory_space<vmem>>, vector<16xf32>,
        tpu.vector_store %arg8[%swap3A_331, %swap3A_332], %gather3A_324 {strides = array<i32>} : memref<128x128xf32, #tpu.memory_space<vmem>>, vector<16xf32>,
        %mul3A_334 = arith.constant 256 : i32
        %mul3A_335 = arith.muli %scan3A_160, %mul3A_334 : i32
        %add3A_336 = arith.constant 176 : i32
        %add3A_337 = arith.addi %mul3A_335, %add3A_336 : i32
        %get3A_338 = arith.index_cast %add3A_337 : i32 to index
        %get3A_339 = tpu.vector_load %arg7[%get3A_338] {strides = array<i32>} : memref<8192xi32, #tpu.memory_space<vmem>>, vector<16xi32>,
        %gather3A_340 = tpu.vector_load_idx %arg6[%get3A_339] : memref<100096xf32, #tpu.memory_space<vmem>>[vector<16xi32>], vector<16xf32>,
        %mul3A_341 = arith.constant 2 : i32
        %mul3A_342 = arith.muli %scan3A_160, %mul3A_341 : i32
        %add3A_343 = arith.constant 64 : i32
        %add3A_344 = arith.addi %add3A_343, %mul3A_342 : i32
        %add3A_345 = arith.constant 1 : i32
        %add3A_346 = arith.addi %add3A_344, %add3A_345 : i32
        %swap3A_347 = arith.index_cast %add3A_346 : i32 to index
        %swap3A_348 = arith.constant 48 : index
        %swap3A_349 = tpu.vector_load %arg8[%swap3A_347, %swap3A_348] {strides = array<i32>} : memref<128x128xf32, #tpu.memory_space<vmem>>, vector<16xf32>,
        tpu.vector_store %arg8[%swap3A_347, %swap3A_348], %gather3A_340 {strides = array<i32>} : memref<128x128xf32, #tpu.memory_space<vmem>>, vector<16xf32>,
        %mul3A_350 = arith.constant 256 : i32
        %mul3A_351 = arith.muli %scan3A_160, %mul3A_350 : i32
        %add3A_352 = arith.constant 192 : i32
        %add3A_353 = arith.addi %mul3A_351, %add3A_352 : i32
        %get3A_354 = arith.index_cast %add3A_353 : i32 to index
        %get3A_355 = tpu.vector_load %arg7[%get3A_354] {strides = array<i32>} : memref<8192xi32, #tpu.memory_space<vmem>>, vector<16xi32>,
        %gather3A_356 = tpu.vector_load_idx %arg6[%get3A_355] : memref<100096xf32, #tpu.memory_space<vmem>>[vector<16xi32>], vector<16xf32>,
        %mul3A_357 = arith.constant 2 : i32
        %mul3A_358 = arith.muli %scan3A_160, %mul3A_357 : i32
        %add3A_359 = arith.constant 64 : i32
        %add3A_360 = arith.addi %add3A_359, %mul3A_358 : i32
        %add3A_361 = arith.constant 1 : i32
        %add3A_362 = arith.addi %add3A_360, %add3A_361 : i32
        %swap3A_363 = arith.index_cast %add3A_362 : i32 to index
        %swap3A_364 = arith.constant 64 : index
        %swap3A_365 = tpu.vector_load %arg8[%swap3A_363, %swap3A_364] {strides = array<i32>} : memref<128x128xf32, #tpu.memory_space<vmem>>, vector<16xf32>,
        tpu.vector_store %arg8[%swap3A_363, %swap3A_364], %gather3A_356 {strides = array<i32>} : memref<128x128xf32, #tpu.memory_space<vmem>>, vector<16xf32>,
        %mul3A_366 = arith.constant 256 : i32
        %mul3A_367 = arith.muli %scan3A_160, %mul3A_366 : i32
        %add3A_368 = arith.constant 208 : i32
        %add3A_369 = arith.addi %mul3A_367, %add3A_368 : i32
        %get3A_370 = arith.index_cast %add3A_369 : i32 to index
        %get3A_371 = tpu.vector_load %arg7[%get3A_370] {strides = array<i32>} : memref<8192xi32, #tpu.memory_space<vmem>>, vector<16xi32>,
        %gather3A_372 = tpu.vector_load_idx %arg6[%get3A_371] : memref<100096xf32, #tpu.memory_space<vmem>>[vector<16xi32>], vector<16xf32>,
        %mul3A_373 = arith.constant 2 : i32
        %mul3A_374 = arith.muli %scan3A_160, %mul3A_373 : i32
        %add3A_375 = arith.constant 64 : i32
        %add3A_376 = arith.addi %add3A_375, %mul3A_374 : i32
        %add3A_377 = arith.constant 1 : i32
        %add3A_378 = arith.addi %add3A_376, %add3A_377 : i32
        %swap3A_379 = arith.index_cast %add3A_378 : i32 to index
        %swap3A_380 = arith.constant 80 : index
        %swap3A_381 = tpu.vector_load %arg8[%swap3A_379, %swap3A_380] {strides = array<i32>} : memref<128x128xf32, #tpu.memory_space<vmem>>, vector<16xf32>,
        tpu.vector_store %arg8[%swap3A_379, %swap3A_380], %gather3A_372 {strides = array<i32>} : memref<128x128xf32, #tpu.memory_space<vmem>>, vector<16xf32>,
        %mul3A_382 = arith.constant 256 : i32
        %mul3A_383 = arith.muli %scan3A_160, %mul3A_382 : i32
        %add3A_384 = arith.constant 224 : i32
        %add3A_385 = arith.addi %mul3A_383, %add3A_384 : i32
        %get3A_386 = arith.index_cast %add3A_385 : i32 to index
        %get3A_387 = tpu.vector_load %arg7[%get3A_386] {strides = array<i32>} : memref<8192xi32, #tpu.memory_space<vmem>>, vector<16xi32>,
        %gather3A_388 = tpu.vector_load_idx %arg6[%get3A_387] : memref<100096xf32, #tpu.memory_space<vmem>>[vector<16xi32>], vector<16xf32>,
        %mul3A_389 = arith.constant 2 : i32
        %mul3A_390 = arith.muli %scan3A_160, %mul3A_389 : i32
        %add3A_391 = arith.constant 64 : i32
        %add3A_392 = arith.addi %add3A_391, %mul3A_390 : i32
        %add3A_393 = arith.constant 1 : i32
        %add3A_394 = arith.addi %add3A_392, %add3A_393 : i32
        %swap3A_395 = arith.index_cast %add3A_394 : i32 to index
        %swap3A_396 = arith.constant 96 : index
        %swap3A_397 = tpu.vector_load %arg8[%swap3A_395, %swap3A_396] {strides = array<i32>} : memref<128x128xf32, #tpu.memory_space<vmem>>, vector<16xf32>,
        tpu.vector_store %arg8[%swap3A_395, %swap3A_396], %gather3A_388 {strides = array<i32>} : memref<128x128xf32, #tpu.memory_space<vmem>>, vector<16xf32>,
        %mul3A_398 = arith.constant 256 : i32
        %mul3A_399 = arith.muli %scan3A_160, %mul3A_398 : i32
        %add3A_400 = arith.constant 240 : i32
        %add3A_401 = arith.addi %mul3A_399, %add3A_400 : i32
        %get3A_402 = arith.index_cast %add3A_401 : i32 to index
        %get3A_403 = tpu.vector_load %arg7[%get3A_402] {strides = array<i32>} : memref<8192xi32, #tpu.memory_space<vmem>>, vector<16xi32>,
        %gather3A_404 = tpu.vector_load_idx %arg6[%get3A_403] : memref<100096xf32, #tpu.memory_space<vmem>>[vector<16xi32>], vector<16xf32>,
        %mul3A_405 = arith.constant 2 : i32
        %mul3A_406 = arith.muli %scan3A_160, %mul3A_405 : i32
        %add3A_407 = arith.constant 64 : i32
        %add3A_408 = arith.addi %add3A_407, %mul3A_406 : i32
        %add3A_409 = arith.constant 1 : i32
        %add3A_410 = arith.addi %add3A_408, %add3A_409 : i32
        %swap3A_411 = arith.index_cast %add3A_410 : i32 to index
        %swap3A_412 = arith.constant 112 : index
        %swap3A_413 = tpu.vector_load %arg8[%swap3A_411, %swap3A_412] {strides = array<i32>} : memref<128x128xf32, #tpu.memory_space<vmem>>, vector<16xf32>,
        tpu.vector_store %arg8[%swap3A_411, %swap3A_412], %gather3A_404 {strides = array<i32>} : memref<128x128xf32, #tpu.memory_space<vmem>>, vector<16xf32>,
      }
      %scan3A_151 = arith.constant 32 : i32
      %add3A_152 = arith.constant 1 : i32
      %add3A_153 = arith.addi %scan3A_90, %add3A_152 : i32
      %lt3A_154 = arith.constant 26 : i32
      %lt3A_155 = arith.cmpi slt, %add3A_153, %lt3A_154 : i32
      %convert_element_type3A = arith.extui %lt3A_155 : i1 to i32
      %cond3A = arith.constant 0 : i32
      %cond3A_156 = arith.cmpi ne, %convert_element_type3A, %cond3A : i32
      scf.if %cond3A_156 {
        %add3A_160 = arith.constant 1 : i32
        %add3A_161 = arith.addi %scan3A_90, %add3A_160 : i32
        %dma_start3A_162 = arith.constant 0 : i32
        %dma_start3A_163 = tpu.memref_slice %arg6[%dma_start3A_162] : memref<100096xf32, #tpu.memory_space<vmem>> -> memref<24960xf32, #tpu.memory_space<vmem>>
        %dma_start3A_164 = arith.constant 0 : i32
        %dma_start3A_165 = tpu.memref_slice %arg2[%add3A_161, %add3A, %dma_start3A_164] : memref<26x32x100000xf32, #tpu.memory_space<hbm>> -> memref<1x1x24960xf32, #tpu.memory_space<hbm>>
        %dma_start3A_166 = tpu.memref_squeeze %dma_start3A_165 : memref<1x1x24960xf32, #tpu.memory_space<hbm>> -> memref<24960xf32, #tpu.memory_space<hbm>>
        %dma_start3A_167 = arith.constant 0 : i32
        %dma_start3A_168 = tpu.memref_slice %arg6[%dma_start3A_167] : memref<100096xf32, #tpu.memory_space<vmem>> -> memref<24960xf32, #tpu.memory_space<vmem>>
        %dma_start3A_169 = arith.constant 0 : i32
        %dma_start3A_170 = tpu.memref_slice %arg2[%add3A_161, %add3A, %dma_start3A_169] : memref<26x32x100000xf32, #tpu.memory_space<hbm>> -> memref<1x1x24960xf32, #tpu.memory_space<hbm>>
        %dma_start3A_171 = tpu.memref_squeeze %dma_start3A_170 : memref<1x1x24960xf32, #tpu.memory_space<hbm>> -> memref<24960xf32, #tpu.memory_space<hbm>>
        tpu.enqueue_dma source(%dma_start3A_171 : memref<24960xf32, #tpu.memory_space<hbm>>) target(%dma_start3A_168 : memref<24960xf32, #tpu.memory_space<vmem>>) target_semaphore(%arg9 : memref<!tpu.dma_semaphore, #tpu.memory_space<semaphore_mem>>)
        %dma_start3A_172 = arith.constant 24960 : i32
        %dma_start3A_173 = tpu.memref_slice %arg6[%dma_start3A_172] : memref<100096xf32, #tpu.memory_space<vmem>> -> memref<24960xf32, #tpu.memory_space<vmem>>
        %dma_start3A_174 = arith.constant 24960 : i32
        %dma_start3A_175 = tpu.memref_slice %arg2[%add3A_161, %add3A, %dma_start3A_174] : memref<26x32x100000xf32, #tpu.memory_space<hbm>> -> memref<1x1x24960xf32, #tpu.memory_space<hbm>>
        %dma_start3A_176 = tpu.memref_squeeze %dma_start3A_175 : memref<1x1x24960xf32, #tpu.memory_space<hbm>> -> memref<24960xf32, #tpu.memory_space<hbm>>
        %dma_start3A_177 = arith.constant 24960 : i32
        %dma_start3A_178 = tpu.memref_slice %arg6[%dma_start3A_177] : memref<100096xf32, #tpu.memory_space<vmem>> -> memref<24960xf32, #tpu.memory_space<vmem>>
        %dma_start3A_179 = arith.constant 24960 : i32
        %dma_start3A_180 = tpu.memref_slice %arg2[%add3A_161, %add3A, %dma_start3A_179] : memref<26x32x100000xf32, #tpu.memory_space<hbm>> -> memref<1x1x24960xf32, #tpu.memory_space<hbm>>
        %dma_start3A_181 = tpu.memref_squeeze %dma_start3A_180 : memref<1x1x24960xf32, #tpu.memory_space<hbm>> -> memref<24960xf32, #tpu.memory_space<hbm>>
        tpu.enqueue_dma source(%dma_start3A_181 : memref<24960xf32, #tpu.memory_space<hbm>>) target(%dma_start3A_178 : memref<24960xf32, #tpu.memory_space<vmem>>) target_semaphore(%arg9 : memref<!tpu.dma_semaphore, #tpu.memory_space<semaphore_mem>>)
        %dma_start3A_182 = arith.constant 49920 : i32
        %dma_start3A_183 = tpu.memref_slice %arg6[%dma_start3A_182] : memref<100096xf32, #tpu.memory_space<vmem>> -> memref<24960xf32, #tpu.memory_space<vmem>>
        %dma_start3A_184 = arith.constant 49920 : i32
        %dma_start3A_185 = tpu.memref_slice %arg2[%add3A_161, %add3A, %dma_start3A_184] : memref<26x32x100000xf32, #tpu.memory_space<hbm>> -> memref<1x1x24960xf32, #tpu.memory_space<hbm>>
        %dma_start3A_186 = tpu.memref_squeeze %dma_start3A_185 : memref<1x1x24960xf32, #tpu.memory_space<hbm>> -> memref<24960xf32, #tpu.memory_space<hbm>>
        %dma_start3A_187 = arith.constant 49920 : i32
        %dma_start3A_188 = tpu.memref_slice %arg6[%dma_start3A_187] : memref<100096xf32, #tpu.memory_space<vmem>> -> memref<24960xf32, #tpu.memory_space<vmem>>
        %dma_start3A_189 = arith.constant 49920 : i32
        %dma_start3A_190 = tpu.memref_slice %arg2[%add3A_161, %add3A, %dma_start3A_189] : memref<26x32x100000xf32, #tpu.memory_space<hbm>> -> memref<1x1x24960xf32, #tpu.memory_space<hbm>>
        %dma_start3A_191 = tpu.memref_squeeze %dma_start3A_190 : memref<1x1x24960xf32, #tpu.memory_space<hbm>> -> memref<24960xf32, #tpu.memory_space<hbm>>
        tpu.enqueue_dma source(%dma_start3A_191 : memref<24960xf32, #tpu.memory_space<hbm>>) target(%dma_start3A_188 : memref<24960xf32, #tpu.memory_space<vmem>>) target_semaphore(%arg9 : memref<!tpu.dma_semaphore, #tpu.memory_space<semaphore_mem>>)
        %dma_start3A_192 = arith.constant 74880 : i32
        %dma_start3A_193 = tpu.memref_slice %arg6[%dma_start3A_192] : memref<100096xf32, #tpu.memory_space<vmem>> -> memref<25088xf32, #tpu.memory_space<vmem>>
        %dma_start3A_194 = arith.constant 74880 : i32
        %dma_start3A_195 = tpu.memref_slice %arg2[%add3A_161, %add3A, %dma_start3A_194] : memref<26x32x100000xf32, #tpu.memory_space<hbm>> -> memref<1x1x25088xf32, #tpu.memory_space<hbm>>
        %dma_start3A_196 = tpu.memref_squeeze %dma_start3A_195 : memref<1x1x25088xf32, #tpu.memory_space<hbm>> -> memref<25088xf32, #tpu.memory_space<hbm>>
        %dma_start3A_197 = arith.constant 74880 : i32
        %dma_start3A_198 = tpu.memref_slice %arg6[%dma_start3A_197] : memref<100096xf32, #tpu.memory_space<vmem>> -> memref<25088xf32, #tpu.memory_space<vmem>>
        %dma_start3A_199 = arith.constant 74880 : i32
        %dma_start3A_200 = tpu.memref_slice %arg2[%add3A_161, %add3A, %dma_start3A_199] : memref<26x32x100000xf32, #tpu.memory_space<hbm>> -> memref<1x1x25088xf32, #tpu.memory_space<hbm>>
        %dma_start3A_201 = tpu.memref_squeeze %dma_start3A_200 : memref<1x1x25088xf32, #tpu.memory_space<hbm>> -> memref<25088xf32, #tpu.memory_space<hbm>>
        tpu.enqueue_dma source(%dma_start3A_201 : memref<25088xf32, #tpu.memory_space<hbm>>) target(%dma_start3A_198 : memref<25088xf32, #tpu.memory_space<vmem>>) target_semaphore(%arg9 : memref<!tpu.dma_semaphore, #tpu.memory_space<semaphore_mem>>)
        %dma_start3A_202 = arith.constant 99968 : i32
        %dma_start3A_203 = tpu.memref_slice %arg6[%dma_start3A_202] : memref<100096xf32, #tpu.memory_space<vmem>> -> memref<128xf32, #tpu.memory_space<vmem>>
        %dma_start3A_204 = arith.constant 0 : i32
        %dma_start3A_205 = tpu.memref_slice %arg4[%add3A_161, %add3A, %dma_start3A_204] : memref<26x32x128xf32, #tpu.memory_space<hbm>> -> memref<1x1x128xf32, #tpu.memory_space<hbm>>
        %dma_start3A_206 = tpu.memref_squeeze %dma_start3A_205 : memref<1x1x128xf32, #tpu.memory_space<hbm>> -> memref<128xf32, #tpu.memory_space<hbm>>
        %dma_start3A_207 = arith.constant 99968 : i32
        %dma_start3A_208 = tpu.memref_slice %arg6[%dma_start3A_207] : memref<100096xf32, #tpu.memory_space<vmem>> -> memref<128xf32, #tpu.memory_space<vmem>>
        %dma_start3A_209 = arith.constant 0 : i32
        %dma_start3A_210 = tpu.memref_slice %arg4[%add3A_161, %add3A, %dma_start3A_209] : memref<26x32x128xf32, #tpu.memory_space<hbm>> -> memref<1x1x128xf32, #tpu.memory_space<hbm>>
        %dma_start3A_211 = tpu.memref_squeeze %dma_start3A_210 : memref<1x1x128xf32, #tpu.memory_space<hbm>> -> memref<128xf32, #tpu.memory_space<hbm>>
        tpu.enqueue_dma source(%dma_start3A_211 : memref<128xf32, #tpu.memory_space<hbm>>) target(%dma_start3A_208 : memref<128xf32, #tpu.memory_space<vmem>>) target_semaphore(%arg9 : memref<!tpu.dma_semaphore, #tpu.memory_space<semaphore_mem>>)
      } else {
      }
      %mul3A_157 = arith.constant 4 : i32
      %mul3A_158 = arith.muli %mul3A_157, %scan3A_90 : i32
      %add3A_159 = arith.addi %mul3A_158, %select_n3A : i32
      "tpu.region"() ({
        %run_scoped3A = tpu.sem_alloc : memref<!tpu.dma_semaphore, #tpu.memory_space<semaphore_mem>>
        %dma_start3A_160 = arith.constant 0 : i32
        %dma_start3A_161 = arith.constant 0 : i32
        %dma_start3A_162 = tpu.memref_slice %arg5[%add3A_159, %dma_start3A_160, %select_n3A_30, %dma_start3A_161] : memref<104x128x8x128xf32, #tpu.memory_space<hbm>> -> memref<1x128x1x128xf32, #tpu.memory_space<hbm>>
        %dma_start3A_163 = tpu.memref_squeeze %dma_start3A_162 : memref<1x128x1x128xf32, #tpu.memory_space<hbm>> -> memref<128x128xf32, #tpu.memory_space<hbm>>
        %dma_start3A_164 = arith.constant 0 : i32
        %dma_start3A_165 = arith.constant 0 : i32
        %dma_start3A_166 = tpu.memref_slice %arg5[%add3A_159, %dma_start3A_164, %select_n3A_30, %dma_start3A_165] : memref<104x128x8x128xf32, #tpu.memory_space<hbm>> -> memref<1x128x1x128xf32, #tpu.memory_space<hbm>>
        %dma_start3A_167 = tpu.memref_squeeze %dma_start3A_166 : memref<1x128x1x128xf32, #tpu.memory_space<hbm>> -> memref<128x128xf32, #tpu.memory_space<hbm>>
        tpu.enqueue_dma source(%arg8 : memref<128x128xf32, #tpu.memory_space<vmem>>) target(%dma_start3A_167 : memref<128x128xf32, #tpu.memory_space<hbm>>) target_semaphore(%run_scoped3A : memref<!tpu.dma_semaphore, #tpu.memory_space<semaphore_mem>>)
        %dma_wait3A_168 = arith.constant 0 : i32
        %dma_wait3A_169 = arith.constant 0 : i32
        %dma_wait3A_170 = tpu.memref_slice %arg5[%add3A_159, %dma_wait3A_168, %select_n3A_30, %dma_wait3A_169] : memref<104x128x8x128xf32, #tpu.memory_space<hbm>> -> memref<1x128x1x128xf32, #tpu.memory_space<hbm>>
        %dma_wait3A_171 = tpu.memref_squeeze %dma_wait3A_170 : memref<1x128x1x128xf32, #tpu.memory_space<hbm>> -> memref<128x128xf32, #tpu.memory_space<hbm>>
        %dma_wait3A_172 = arith.constant 0 : i32
        %dma_wait3A_173 = arith.constant 0 : i32
        %dma_wait3A_174 = tpu.memref_slice %arg5[%add3A_159, %dma_wait3A_172, %select_n3A_30, %dma_wait3A_173] : memref<104x128x8x128xf32, #tpu.memory_space<hbm>> -> memref<1x128x1x128xf32, #tpu.memory_space<hbm>>
        %dma_wait3A_175 = tpu.memref_squeeze %dma_wait3A_174 : memref<1x128x1x128xf32, #tpu.memory_space<hbm>> -> memref<128x128xf32, #tpu.memory_space<hbm>>
        tpu.wait_dma2 semaphore(%run_scoped3A : memref<!tpu.dma_semaphore, #tpu.memory_space<semaphore_mem>>) src(%arg8 : memref<128x128xf32, #tpu.memory_space<vmem>>) dst(%dma_wait3A_175 : memref<128x128xf32, #tpu.memory_space<hbm>>)
        tpu.yield
      }) : () -> ()
    }
    %scan3A_89 = arith.constant 26 : i32
    return
  }
}

module attributes {stable_mosaic.version = 14 : i64} {
  func.func @_mlp_body(%arg0: i32, %arg1: memref<13x1024xf32, #tpu.memory_space<vmem>>, %arg2: memref<104x8x8x128xf32, #tpu.memory_space<vmem>>, %arg3: memref<128x13xf32, #tpu.memory_space<vmem>>, %arg4: memref<128x832xf32, #tpu.memory_space<vmem>>, %arg5: memref<128x1xf32, #tpu.memory_space<vmem>>, %arg6: memref<64x128xf32, #tpu.memory_space<vmem>>, %arg7: memref<64x1xf32, #tpu.memory_space<vmem>>, %arg8: memref<1x64xf32, #tpu.memory_space<vmem>>, %arg9: memref<1x1xf32, #tpu.memory_space<vmem>>, %arg10: memref<1x1024xf32, #tpu.memory_space<vmem>>) attributes {dimension_semantics = [#tpu.dimension_semantics<arbitrary>], iteration_bounds = array<i64: 16>, scalar_prefetch = 0 : i64, scratch_operands = 0 : i64, tpu.core_type = #tpu.core_type<tc>, window_params = [{transform_indices = @transform_0, window_bounds = array<i64: 13, 1024>}, {transform_indices = @transform_1, window_bounds = array<i64: 104, 8, 8, 128>}, {pipeline_mode = #tpu.pipeline_mode<synchronous>, transform_indices = @transform_2, window_bounds = array<i64: 128, 13>}, {pipeline_mode = #tpu.pipeline_mode<synchronous>, transform_indices = @transform_3, window_bounds = array<i64: 128, 832>}, {pipeline_mode = #tpu.pipeline_mode<synchronous>, transform_indices = @transform_4, window_bounds = array<i64: 128, 1>}, {pipeline_mode = #tpu.pipeline_mode<synchronous>, transform_indices = @transform_5, window_bounds = array<i64: 64, 128>}, {pipeline_mode = #tpu.pipeline_mode<synchronous>, transform_indices = @transform_6, window_bounds = array<i64: 64, 1>}, {pipeline_mode = #tpu.pipeline_mode<synchronous>, transform_indices = @transform_7, window_bounds = array<i64: 1, 64>}, {pipeline_mode = #tpu.pipeline_mode<synchronous>, transform_indices = @transform_8, window_bounds = array<i64: 1, 1>}, {transform_indices = @transform_9, window_bounds = array<i64: 1, 1024>}]} {
    %get3A = arith.constant 0 : index
    %get3A_0 = arith.constant 0 : index
    %get3A_1 = arith.constant 0 : index
    %get3A_2 = arith.constant 0 : index
    %get3A_3 = vector.load %arg2[%get3A, %get3A_0, %get3A_1, %get3A_2] : memref<104x8x8x128xf32, #tpu.memory_space<vmem>>, vector<104x1x8x128xf32>
    %get3A_4 = vector.shape_cast %get3A_3 : vector<104x1x8x128xf32> to vector<104x8x128xf32>
    %reshape3A = vector.shape_cast %get3A_4 : vector<104x8x128xf32> to vector<832x128xf32>
    %get3A_5 = arith.constant 0 : index
    %get3A_6 = arith.constant 1 : index
    %get3A_7 = arith.constant 0 : index
    %get3A_8 = arith.constant 0 : index
    %get3A_9 = vector.load %arg2[%get3A_5, %get3A_6, %get3A_7, %get3A_8] : memref<104x8x8x128xf32, #tpu.memory_space<vmem>>, vector<104x1x8x128xf32>
    %get3A_10 = vector.shape_cast %get3A_9 : vector<104x1x8x128xf32> to vector<104x8x128xf32>
    %reshape3A_11 = vector.shape_cast %get3A_10 : vector<104x8x128xf32> to vector<832x128xf32>
    %get3A_12 = arith.constant 0 : index
    %get3A_13 = arith.constant 2 : index
    %get3A_14 = arith.constant 0 : index
    %get3A_15 = arith.constant 0 : index
    %get3A_16 = vector.load %arg2[%get3A_12, %get3A_13, %get3A_14, %get3A_15] : memref<104x8x8x128xf32, #tpu.memory_space<vmem>>, vector<104x1x8x128xf32>
    %get3A_17 = vector.shape_cast %get3A_16 : vector<104x1x8x128xf32> to vector<104x8x128xf32>
    %reshape3A_18 = vector.shape_cast %get3A_17 : vector<104x8x128xf32> to vector<832x128xf32>
    %get3A_19 = arith.constant 0 : index
    %get3A_20 = arith.constant 3 : index
    %get3A_21 = arith.constant 0 : index
    %get3A_22 = arith.constant 0 : index
    %get3A_23 = vector.load %arg2[%get3A_19, %get3A_20, %get3A_21, %get3A_22] : memref<104x8x8x128xf32, #tpu.memory_space<vmem>>, vector<104x1x8x128xf32>
    %get3A_24 = vector.shape_cast %get3A_23 : vector<104x1x8x128xf32> to vector<104x8x128xf32>
    %reshape3A_25 = vector.shape_cast %get3A_24 : vector<104x8x128xf32> to vector<832x128xf32>
    %get3A_26 = arith.constant 0 : index
    %get3A_27 = arith.constant 4 : index
    %get3A_28 = arith.constant 0 : index
    %get3A_29 = arith.constant 0 : index
    %get3A_30 = vector.load %arg2[%get3A_26, %get3A_27, %get3A_28, %get3A_29] : memref<104x8x8x128xf32, #tpu.memory_space<vmem>>, vector<104x1x8x128xf32>
    %get3A_31 = vector.shape_cast %get3A_30 : vector<104x1x8x128xf32> to vector<104x8x128xf32>
    %reshape3A_32 = vector.shape_cast %get3A_31 : vector<104x8x128xf32> to vector<832x128xf32>
    %get3A_33 = arith.constant 0 : index
    %get3A_34 = arith.constant 5 : index
    %get3A_35 = arith.constant 0 : index
    %get3A_36 = arith.constant 0 : index
    %get3A_37 = vector.load %arg2[%get3A_33, %get3A_34, %get3A_35, %get3A_36] : memref<104x8x8x128xf32, #tpu.memory_space<vmem>>, vector<104x1x8x128xf32>
    %get3A_38 = vector.shape_cast %get3A_37 : vector<104x1x8x128xf32> to vector<104x8x128xf32>
    %reshape3A_39 = vector.shape_cast %get3A_38 : vector<104x8x128xf32> to vector<832x128xf32>
    %get3A_40 = arith.constant 0 : index
    %get3A_41 = arith.constant 6 : index
    %get3A_42 = arith.constant 0 : index
    %get3A_43 = arith.constant 0 : index
    %get3A_44 = vector.load %arg2[%get3A_40, %get3A_41, %get3A_42, %get3A_43] : memref<104x8x8x128xf32, #tpu.memory_space<vmem>>, vector<104x1x8x128xf32>
    %get3A_45 = vector.shape_cast %get3A_44 : vector<104x1x8x128xf32> to vector<104x8x128xf32>
    %reshape3A_46 = vector.shape_cast %get3A_45 : vector<104x8x128xf32> to vector<832x128xf32>
    %get3A_47 = arith.constant 0 : index
    %get3A_48 = arith.constant 7 : index
    %get3A_49 = arith.constant 0 : index
    %get3A_50 = arith.constant 0 : index
    %get3A_51 = vector.load %arg2[%get3A_47, %get3A_48, %get3A_49, %get3A_50] : memref<104x8x8x128xf32, #tpu.memory_space<vmem>>, vector<104x1x8x128xf32>
    %get3A_52 = vector.shape_cast %get3A_51 : vector<104x1x8x128xf32> to vector<104x8x128xf32>
    %reshape3A_53 = vector.shape_cast %get3A_52 : vector<104x8x128xf32> to vector<832x128xf32>
    %concatenate3A = tpu.concatenate %reshape3A, %reshape3A_11, %reshape3A_18, %reshape3A_25, %reshape3A_32, %reshape3A_39, %reshape3A_46, %reshape3A_53 in 1 : vector<832x128xf32>, vector<832x128xf32>, vector<832x128xf32>, vector<832x128xf32>, vector<832x128xf32>, vector<832x128xf32>, vector<832x128xf32>, vector<832x128xf32> -> vector<832x1024xf32>
    %get3A_54 = arith.constant 0 : index
    %get3A_55 = arith.constant 0 : index
    %get3A_56 = vector.load %arg4[%get3A_54, %get3A_55] : memref<128x832xf32, #tpu.memory_space<vmem>>, vector<128x832xf32>
    %dot_general3A = arith.constant dense<0.000000e+00> : vector<128x1024xf32>
    %dot_general3A_57 = tpu.matmul %get3A_56, %concatenate3A, %dot_general3A {dimension_numbers = #tpu.dot_dimension_numbers<[1], [0], [0], [1], [0, 0, 1, 1], [], []>, transpose_lhs_hint = false} : vector<128x832xf32>, vector<832x1024xf32>, vector<128x1024xf32> -> vector<128x1024xf32>
    %get3A_58 = arith.constant 0 : index
    %get3A_59 = arith.constant 0 : index
    %get3A_60 = vector.load %arg3[%get3A_58, %get3A_59] : memref<128x13xf32, #tpu.memory_space<vmem>>, vector<128x13xf32>
    %get3A_61 = arith.constant 0 : index
    %get3A_62 = arith.constant 0 : index
    %get3A_63 = vector.load %arg1[%get3A_61, %get3A_62] : memref<13x1024xf32, #tpu.memory_space<vmem>>, vector<13x1024xf32>
    %dot_general3A_64 = arith.constant dense<0.000000e+00> : vector<128x1024xf32>
    %dot_general3A_65 = tpu.matmul %get3A_60, %get3A_63, %dot_general3A_64 {dimension_numbers = #tpu.dot_dimension_numbers<[1], [0], [0], [1], [0, 0, 1, 1], [], []>, transpose_lhs_hint = false} : vector<128x13xf32>, vector<13x1024xf32>, vector<128x1024xf32> -> vector<128x1024xf32>
    %add3A = arith.addf %dot_general3A_57, %dot_general3A_65 : vector<128x1024xf32>
    %get3A_66 = arith.constant 0 : index
    %get3A_67 = arith.constant 0 : index
    %get3A_68 = vector.load %arg5[%get3A_66, %get3A_67] : memref<128x1xf32, #tpu.memory_space<vmem>>, vector<128x1xf32>
    %add3A_69 = vector.broadcast %get3A_68 : vector<128x1xf32> to vector<128x1024xf32>
    %add3A_70 = arith.addf %add3A, %add3A_69 : vector<128x1024xf32>
    %max3A = arith.constant 0.000000e+00 : f32
    %max3A_71 = vector.broadcast %max3A : f32 to vector<128x1024xf32>
    %max3A_72 = arith.maximumf %add3A_70, %max3A_71 : vector<128x1024xf32>
    %get3A_73 = arith.constant 0 : index
    %get3A_74 = arith.constant 0 : index
    %get3A_75 = vector.load %arg6[%get3A_73, %get3A_74] : memref<64x128xf32, #tpu.memory_space<vmem>>, vector<64x128xf32>
    %dot_general3A_76 = arith.constant dense<0.000000e+00> : vector<64x1024xf32>
    %dot_general3A_77 = tpu.matmul %get3A_75, %max3A_72, %dot_general3A_76 {dimension_numbers = #tpu.dot_dimension_numbers<[1], [0], [0], [1], [0, 0, 1, 1], [], []>, transpose_lhs_hint = false} : vector<64x128xf32>, vector<128x1024xf32>, vector<64x1024xf32> -> vector<64x1024xf32>
    %get3A_78 = arith.constant 0 : index
    %get3A_79 = arith.constant 0 : index
    %get3A_80 = vector.load %arg7[%get3A_78, %get3A_79] : memref<64x1xf32, #tpu.memory_space<vmem>>, vector<64x1xf32>
    %add3A_81 = vector.broadcast %get3A_80 : vector<64x1xf32> to vector<64x1024xf32>
    %add3A_82 = arith.addf %dot_general3A_77, %add3A_81 : vector<64x1024xf32>
    %max3A_83 = arith.constant 0.000000e+00 : f32
    %max3A_84 = vector.broadcast %max3A_83 : f32 to vector<64x1024xf32>
    %max3A_85 = arith.maximumf %add3A_82, %max3A_84 : vector<64x1024xf32>
    %get3A_86 = arith.constant 0 : index
    %get3A_87 = arith.constant 0 : index
    %get3A_88 = vector.load %arg8[%get3A_86, %get3A_87] : memref<1x64xf32, #tpu.memory_space<vmem>>, vector<1x64xf32>
    %dot_general3A_89 = arith.constant dense<0.000000e+00> : vector<1x1024xf32>
    %dot_general3A_90 = tpu.matmul %get3A_88, %max3A_85, %dot_general3A_89 {dimension_numbers = #tpu.dot_dimension_numbers<[1], [0], [0], [1], [0, 0, 1, 1], [], []>, transpose_lhs_hint = false} : vector<1x64xf32>, vector<64x1024xf32>, vector<1x1024xf32> -> vector<1x1024xf32>
    %get3A_91 = arith.constant 0 : index
    %get3A_92 = arith.constant 0 : index
    %get3A_93 = vector.load %arg9[%get3A_91, %get3A_92] : memref<1x1xf32, #tpu.memory_space<vmem>>, vector<1x1xf32>
    %add3A_94 = vector.broadcast %get3A_93 : vector<1x1xf32> to vector<1x1024xf32>
    %add3A_95 = arith.addf %dot_general3A_90, %add3A_94 : vector<1x1024xf32>
    %swap3A = arith.constant 0 : index
    %swap3A_96 = arith.constant 0 : index
    %swap3A_97 = vector.load %arg10[%swap3A, %swap3A_96] : memref<1x1024xf32, #tpu.memory_space<vmem>>, vector<1x1024xf32>
    tpu.vector_store %arg10[%swap3A, %swap3A_96], %add3A_95 {strides = array<i32>} : memref<1x1024xf32, #tpu.memory_space<vmem>>, vector<1x1024xf32>,
    return
  }
  func.func @transform_0(%arg0: i32) -> (i32, i32) {
    %c0_i32 = arith.constant 0 : i32
    %c0_i32_0 = arith.constant 0 : i32
    return %c0_i32, %arg0 : i32, i32
  }
  func.func @transform_1(%arg0: i32) -> (i32, i32, i32, i32) {
    %c0_i32 = arith.constant 0 : i32
    %c0_i32_0 = arith.constant 0 : i32
    %c0_i32_1 = arith.constant 0 : i32
    %c0_i32_2 = arith.constant 0 : i32
    return %c0_i32, %arg0, %c0_i32_0, %c0_i32_1 : i32, i32, i32, i32
  }
  func.func @transform_2(%arg0: i32) -> (i32, i32) {
    %c0_i32 = arith.constant 0 : i32
    %c0_i32_0 = arith.constant 0 : i32
    %c0_i32_1 = arith.constant 0 : i32
    return %c0_i32, %c0_i32_0 : i32, i32
  }
  func.func @transform_3(%arg0: i32) -> (i32, i32) {
    %c0_i32 = arith.constant 0 : i32
    %c0_i32_0 = arith.constant 0 : i32
    %c0_i32_1 = arith.constant 0 : i32
    return %c0_i32, %c0_i32_0 : i32, i32
  }
  func.func @transform_4(%arg0: i32) -> (i32, i32) {
    %c0_i32 = arith.constant 0 : i32
    %c0_i32_0 = arith.constant 0 : i32
    %c0_i32_1 = arith.constant 0 : i32
    return %c0_i32, %c0_i32_0 : i32, i32
  }
  func.func @transform_5(%arg0: i32) -> (i32, i32) {
    %c0_i32 = arith.constant 0 : i32
    %c0_i32_0 = arith.constant 0 : i32
    %c0_i32_1 = arith.constant 0 : i32
    return %c0_i32, %c0_i32_0 : i32, i32
  }
  func.func @transform_6(%arg0: i32) -> (i32, i32) {
    %c0_i32 = arith.constant 0 : i32
    %c0_i32_0 = arith.constant 0 : i32
    %c0_i32_1 = arith.constant 0 : i32
    return %c0_i32, %c0_i32_0 : i32, i32
  }
  func.func @transform_7(%arg0: i32) -> (i32, i32) {
    %c0_i32 = arith.constant 0 : i32
    %c0_i32_0 = arith.constant 0 : i32
    %c0_i32_1 = arith.constant 0 : i32
    return %c0_i32, %c0_i32_0 : i32, i32
  }
  func.func @transform_8(%arg0: i32) -> (i32, i32) {
    %c0_i32 = arith.constant 0 : i32
    %c0_i32_0 = arith.constant 0 : i32
    %c0_i32_1 = arith.constant 0 : i32
    return %c0_i32, %c0_i32_0 : i32, i32
  }
  func.func @transform_9(%arg0: i32) -> (i32, i32) {
    %c0_i32 = arith.constant 0 : i32
    %c0_i32_0 = arith.constant 0 : i32
    return %c0_i32, %arg0 : i32, i32
  }
}

</mosaic_0001>

<sc_bundles>
// kernel: kernel.4.cloned.1.call-start
scs
__scs_entry_jumppad:
0x0: {  	(pc) =	sbr.rel $0x88, $3  }
0x1: {  	(tag) =	ssettag $0x0;
	lr =	simm.s32 $0x1  }
0x2: {  	[smem:$0x3F98] =	sst lr;
	_ =	strace $0xD0000000  }
0x3: {  	_ = 	snop  }
0x4: {  	_ = 	snop  }
0x5: {  	_ = 	snop  }
0x6: {  	_ = 	snop  }
0x7: {  	_ = 	snop  }
__scs_overlays_trampoline_lowered:
0x8: {  	[smem:$0x3FA7] =	sst s0  }
0x9: {  	[smem:$0x3FA8] =	sst s1  }
0xa: {  	[smem:$0x3FA9] =	sst s2  }
0xb: {  	[smem:$0x3FAA] =	sst s3  }
0xc: {  	[smem:$0x3FAB] =	sst s4  }
0xd: {  	[smem:$0x3FAC] =	sst s5  }
0xe: {  	[smem:$0x3FAD] =	sst s6  }
0xf: {  	[smem:$0x3FAE] =	sst s7  }
0x10: {  	[smem:$0x3FAF] =	sst s8  }
0x11: {  	[smem:$0x3FB0] =	sst s9;
	s0 =	simm.s32 @!p0 $0x0  }
0x12: {  	s1 =	sld [smem:$0x3F96];
	s0 =	simm.s32 @p0 $0x1  }
0x13: {  	[smem:$0x3FB1] =	sst s0;
	s0 =	simm.s32 @!p1 $0x0  }
0x14: {  	s2 =	sld [smem:$0x3F95];
	s0 =	simm.s32 @p1 $0x1  }
0x15: {  	[smem:$0x3FB2] =	sst s0;
	s0 =	simm.s32 @!p2 $0x0  }
0x16: {  	s3 =	sld [smem:$0x3FDB];
	s0 =	simm.s32 @p2 $0x1  }
0x17: {  	s4 =	simm.s32 $0x1BF5;
	[smem:$0x3FB4] =	sst s0  }
0x18: {  	s0 =	sld [smem:$0x3F97];
	_ =	swait.ge [sflag:s4], $0x0  }
0x19: {  	s7 =	sld [smem:$0x3F98]  }
0x1a: {  	s8 =	sadd.s32 $0xFFFFE003, lr  }
0x1b: {  	s9 =	sadd.s32 $0xFFFFFEF7, lr;
	s5 =	simm.s32 $0xFFFFFFFF;
	p2 =	slt.u32 s8, $0xFFFFF086  }
0x1c: {  	p1 =	slt.u32 s9, $0xF7A;
	s5 =	simm.s32 @!p2 $0x0  }
0x1d: {  	s5 =	simm.s32 @p1 $0x1;
	p0 =	seq.s32 s7, s2  }
0x1e: {  	s7 =	smul.u32 @!p0 $0xF7A, s2;
	p2 =	seq.s32 @!p0 s5, $0x0  }
0x1f: {  	s9 =	smul.u32 $0xF7A, s1;
	s8 =	simm.s32 @!p0 $0x1BF5;
	p2 =	por !p2, p0  }
0x20: {  	[sflag:s8] =	ssyncset.s32 @!p0 $0xFFFFF086;
	s6 =	sadd.s32 @!p0 s3, s7;
	s7 =	simm.s32 @!p0 $0x108  }
0x21: {  	s3 =	sadd.s32 s3, s9;
	s6 =	sadd.s32 @!p0 $0x88, s6;
	s7 =	simm.s32 @p2 $0x1082  }
0x22: {  	[simem:s7], [sflag:s8] =	dma.local @!p0 [hbm:s6], $0xF7A  }
0x23: {  	s9 =	sor.u32 $0xD0000000, s2;
	s6 =	simm.s32 $0x108;
	_ =	swait.ge @!p0 [sflag:s8], $0x0  }
0x24: {  	s3 =	sadd.s32 $0x88, s3;
	s6 =	simm.s32 @!p1 $0x1082;
	[sflag:s4] =	ssyncset.s32 $0xFFFFF086  }
0x25: {  	[simem:s6], [sflag:s4] =	dma.local [hbm:s3], $0xF7A  }
0x26: {  	[smem:$0x3F98] =	sst s1;
	(tag) =	ssettag s2;
	_ =	strace s9  }
0x27: {  	s1 =	sld [smem:$0x3FA8]  }
0x28: {  	s2 =	sld [smem:$0x3FA9]  }
0x29: {  	s4 =	sld [smem:$0x3FAB]  }
0x2a: {  	p0 =	seq.s32 s5, $0x0;
	s5 =	sld [smem:$0x3FAC]  }
0x2b: {  	s6 =	sld [smem:$0x3FAD]  }
0x2c: {  	s7 =	sld [smem:$0x3FAE]  }
0x2d: {  	s3 =	simm.s32 $0x108;
	s8 =	sld [smem:$0x3FAF]  }
0x2e: {  	s3 =	simm.s32 @!p0 $0x1082;
	s9 =	sld [smem:$0x3FB0]  }
0x2f: {  	lr =	sadd.s32 s0, s3;
	s0 =	sld [smem:$0x3FA7]  }
0x30: {  	s3 =	sld [smem:$0x3FAA]  }
0x31: {  	[smem:$0x3FB3] =	sst s10  }
0x32: {  	s10 =	sld [smem:$0x3FB1];
	_ =	sdelay $0x3  }
0x33: {  	p0 =	seq.s32 s10, $0x1;
	s10 =	sld [smem:$0x3FB3];
	_ =	sdelay $0x3  }
0x34: {  	[smem:$0x3FB3] =	sst s10  }
0x35: {  	s10 =	sld [smem:$0x3FB2];
	_ =	sdelay $0x3  }
0x36: {  	p1 =	seq.s32 s10, $0x1;
	s10 =	sld [smem:$0x3FB3];
	_ =	sdelay $0x3  }
0x37: {  	[smem:$0x3FB3] =	sst s10  }
0x38: {  	s10 =	sld [smem:$0x3FB4]  }
0x39: {  	_ = 	snop;
	(pc) =	sbr.ind lr, $3  }
0x3a: {  	_ = 	snop  }
0x3b: {  	_ = 	snop  }
0x3c: {  	p2 =	seq.s32 s10, $0x1;
	s10 =	sld [smem:$0x3FB3]  }
0x3d: {  	_ =	shalt  }
0x3e: {  	_ =	shalt  }
0x3f: {  	_ =	shalt  }
0x40: {  	_ =	shalt  }
0x41: {  	_ =	shalt  }
0x42: {  	_ =	shalt  }
0x43: {  	_ =	shalt  }
0x44: {  	_ =	shalt  }
0x45: {  	_ =	shalt  }
0x46: {  	_ =	shalt  }
0x47: {  	_ =	shalt  }
0x48: {  	_ =	shalt  }
0x49: {  	_ =	shalt  }
0x4a: {  	_ =	shalt  }
0x4b: {  	_ =	shalt  }
0x4c: {  	_ =	shalt  }
0x4d: {  	_ =	shalt  }
0x4e: {  	_ =	shalt  }
0x4f: {  	_ =	shalt  }
0x50: {  	_ =	shalt  }
0x51: {  	_ =	shalt  }
0x52: {  	_ =	shalt  }
0x53: {  	_ =	shalt  }
0x54: {  	_ =	shalt  }
0x55: {  	_ =	shalt  }
0x56: {  	_ =	shalt  }
0x57: {  	_ =	shalt  }
0x58: {  	_ =	shalt  }
0x59: {  	_ =	shalt  }
0x5a: {  	_ =	shalt  }
0x5b: {  	_ =	shalt  }
0x5c: {  	_ =	shalt  }
0x5d: {  	_ =	shalt  }
0x5e: {  	_ =	shalt  }
0x5f: {  	_ =	shalt  }
0x60: {  	_ =	shalt  }
0x61: {  	_ =	shalt  }
0x62: {  	_ =	shalt  }
0x63: {  	_ =	shalt  }
0x64: {  	_ =	shalt  }
0x65: {  	_ =	shalt  }
0x66: {  	_ =	shalt  }
0x67: {  	_ =	shalt  }
0x68: {  	_ =	shalt  }
0x69: {  	_ =	shalt  }
0x6a: {  	_ =	shalt  }
0x6b: {  	_ =	shalt  }
0x6c: {  	_ =	shalt  }
0x6d: {  	_ =	shalt  }
0x6e: {  	_ =	shalt  }
0x6f: {  	_ =	shalt  }
0x70: {  	_ =	shalt  }
0x71: {  	_ =	shalt  }
0x72: {  	_ =	shalt  }
0x73: {  	_ =	shalt  }
0x74: {  	_ =	shalt  }
0x75: {  	_ =	shalt  }
0x76: {  	_ =	shalt  }
0x77: {  	_ =	shalt  }
0x78: {  	_ =	shalt  }
0x79: {  	_ =	shalt  }
0x7a: {  	_ =	shalt  }
0x7b: {  	_ =	shalt  }
0x7c: {  	_ =	shalt  }
0x7d: {  	_ =	shalt  }
0x7e: {  	_ =	shalt  }
0x7f: {  	_ =	shalt  }
0x80: {  	_ =	shalt  }
0x81: {  	_ =	shalt  }
0x82: {  	_ =	shalt  }
0x83: {  	_ =	shalt  }
0x84: {  	_ =	shalt  }
0x85: {  	_ =	shalt  }
0x86: {  	_ =	shalt  }
0x87: {  	_ =	shalt  }
.Lfunc_end0:
.L_simem_size_0:
called_computation_lowered:
.L_overlay_start_0:
0x88: {  	s2 =	sld [smem:$0x3FD9]  }
0x89: {  	s3 =	sld [smem:$0x3FFE];
	_ =	sdelay $0x1  }
0x8a: {  	s1 =	srdreg.scid  }
0x8b: {  	s0 =	sand.u32 $0x1, s1  }
0x8c: {  	s17 =	sshll.u32 s0, $0xA;
	s2 =	sadd.s32 s3, s2  }
0x8d: {  	s2 =	sadd.s32 s2, s17  }
0x8e: {  	[smem:$0x3FBF] =	sst s2  }
0x8f: {  	_ = 	snop  }
0x90: {  	s2 =	sld [smem:$0x3FC8]  }
0x91: {  	s18 =	sld [smem:$0x3FC7];
	(tm) =	ssettm $0x1  }
0x92: {  	s4 =	sld [smem:$0x3FFB];
	_ =	sdelay $0x3  }
0x93: {  	_ =	strace s4  }
0x94: {  	s4 =	sld [smem:$0x3FFC];
	_ =	sdelay $0x3  }
0x95: {  	_ =	strace s4  }
0x96: {  	s4 =	sld [smem:$0x3FFD];
	_ =	sdelay $0x3  }
0x97: {  	_ =	strace s4  }
0x98: {  	_ =	strace $0x8FFFFFFF  }
0x99: {  	s19 =	sld [smem:$0x3FDB];
	_ =	sdelay $0x1  }
0x9a: {  	s5 =	simm.s32 $_scs_section_size  }
0x9b: {  	s6 =	simm.s32 $_size__tile_overlayer_lowered;
	s7 =	simm.s32 $_tile_overlayer_lowered  }
0x9c: {  	s22 =	simm.s32 $0x1BFF;
	s21 =	sshll.u32 s7, $0x1;
	s4 =	sadd.s32 s5, s19  }
0x9d: {  	s8 =	simm.s32 $0x0;
	s20 =	sshll.u32 s6, $0x1;
	s6 =	sadd.s32 s21, s4  }
0x9e: {  	[timem:s8], [sflag:s22] =	dma.local [hbm:s6], s20  }
0x9f: {  	_ =	swait.ge [sflag:s22], s20  }
0xa0: {  	s5 =	ssub.s32 $0x0, s20;
	[sflag:s22] =	ssyncset.done $0x0  }
0xa1: {  	[sflag:s22] =	ssyncadd.s32 s5;
	_ =	sdelay $0x1  }
0xa2: {  	s23 =	simm.s32 $0x1B8B  }
0xa3: {  	_ =	swait.ge [sflag:s23], $0x1  }
0xa4: {  	[sflag:s23] =	ssyncset.done $0x0  }
0xa5: {  	s25 =	simm.s32 $0x1B8E;
	s24 =	sld [smem:$0x3FFE];
	[sflag:s23] =	ssyncadd.s32 $0xFFFFFFFF  }
0xa6: {  	s26 =	simm.s32 $execute0_lowered;
	[smem:$0x3FD2] =	sst s25  }
0xa7: {  	s6 =	sshll.u32 s26, $0x1;
	_ =	strace $0x80000046;
	[dreg:$0x1] =	wrdreg $0xFFFFFFFF  }
0xa8: {  	s28 =	simm.s32 $_size_execute0_lowered;
	s4 =	sadd.s32 s4, s6;
	[dreg:$0x0] =	wrdreg $0x0  }
0xa9: {  	s6 =	sshll.u32 s28, $0x1;
	[dreg:$0x2] =	wrdreg s4  }
0xaa: {  	[dreg:$0x3] =	wrdreg s6  }
0xab: {  	[dreg:$0x4] =	wrdreg $0xC0  }
0xac: {  	_ =	task [dreg:s8], $0x5FFFF  }
0xad: {  	[dreg:$0x1] =	wrdreg $0xFFFFFFFF  }
0xae: {  	[dreg:$0x0] =	wrdreg $0x60  }
0xaf: {  	[dreg:$0x2] =	wrdreg s18  }
0xb0: {  	[dreg:$0x3] =	wrdreg s2  }
0xb1: {  	[dreg:$0x4] =	wrdreg s24  }
0xb2: {  	[dreg:$0x5] =	wrdreg $0x9  }
0xb3: {  	_ =	task.clear_ibuf [dreg:s8], $0x6FFFF;
	_ =	strace $0x90000046  }
0xb4: {  	s29 =	simm.s32 $0x9;
	_ =	strace $0x80000048  }
0xb5: {  	_ =	swait.ge [sflag:s29], $0x1  }
0xb6: {  	[sflag:s29] =	ssyncadd.s32 $0xFFFFFFFF  }
0xb7: {  	_ =	strace $0x90000048  }
0xb8: {  	_ =	sfence  }
0xb9: {  	s30 =	sld [smem:$0x0];
	_ =	sdelay $0x2  }
0xba: {  	s31 =	sshll.u32 s1, $0xD;
	s1 =	sshrl.u32 s1, $0x2  }
0xbb: {  	s3 =	sand.u32 $0x4000, s31;
	s1 =	sadd.s32 s1, s30  }
0xbc: {  	s0 =	sor.u32 s3, s0;
	s1 =	sshll.u32 s1, $0x11  }
0xbd: {  	s0 =	sor.u32 s1, s0  }
0xbe: {  	s0 =	sadd.s32 $0x8F2B, s0  }
0xbf: {  	[sflag:s0] =	ssyncadd.remote.s32 $0x1  }
0xc0: {  	_ =	sfence.sel $0xFFFF  }
0xc1: {  	[dreg:$0x0] =	wrdreg $0xFFFFFFFF;
	(pc) =	sbr.abs _section_cstart, $3  }
0xc2: {  	[dreg:$0x1] =	wrdreg $0xFFFFFFFF  }
0xc3: {  	_ =	task.clear_ibuf [dreg:s8], $0x2FFFF;
	_ =	strace $0x9FFFFFFF  }
0xc4: {  	(tm) =	ssettm $0x7FFFFFFF  }
0xc5: {  	_ =	shalt  }
tec
execute0_lowered:
.L_overlay_start_1:
0x0: {  	(tag) =	ssettag $0x1  }
0x1: {  	s1 =	rddreg [dreg:$0x0]  }
0x2: {  	s2 =	rddreg [dreg:$0x1]  }
0x3: {  	s0 =	rddreg [dreg:$0x2];
	s4 =	simm.s32 $0x0;
	s7 =	stileid.u32  }
0x4: {  	s3 =	srdreg.scid;
	s20 =	simm.s32 $0x80;
	s21 =	simm.s32 $0x400  }
0x5: {  	s28 =	simm.s32 $0x2;
	s29 =	simm.s32 $0x1;
	s30 =	simm.s32 $0x1A700  }
0x6: {  	s31 =	simm.s32 $0x0;
	[smem:$0x7FF] =	sst s4;
	s3 =	sand.u32 $0x1, s3  }
0x7: {  	s6 =	sshll.u32 s7, $0x1;
	s5 =	sadd.s32 $0x1400, s0;
	s10 =	sshrl.u32 s7, $0x2  }
0x8: {  	s7 =	sshll.u32 s7, $0xC;
	s17 =	sadd.s32 $0x2000, s2;
	_ =	strace $0x80000047  }
0x9: {  	s12 =	sor.u32 s3, s6;
	s6 =	smul.u32 $0xC3800, s10;
	s8 =	sand.u32 $0xC000, s7  }
0xa: {  	s3 =	ssub.s32 $0x2, s3;
	s15 =	sshll.u32 s10, $0xA;
	s14 =	sshll.u32 s12, $0x7  }
0xb: {  	s0 =	sadd.s32 s8, s0;
	s23 =	sshrl.u32 s3, $0x1;
	s16 =	sshll.u32 s12, $0x4  }
0xc: {  	s7 =	sand.u32 $0x380, s14;
	s3 =	ssub.s32 s3, s23;
	s16 =	sand.u32 $0x70, s16  }
0xd: {  	s14 =	sor.u32 $0x30C00, s14;
	s11 =	sor.u32 s6, s7;
	s0 =	sadd.s32 s16, s0  }
0xe: {  	s16 =	sor.u32 $0x92400, s7;
	s19 =	smax.u32 s3, $0x1;
	s24 =	sshrl.u32 s11, $0x3  }
0xf: {  	s9 =	sadd.s32 $0x30C00, s11;
	s13 =	sadd.s32 $0x61800, s11;
	s26 =	sadd.s32 $0x92400, s11  }
0x10: {  	s11 =	sor.u32 s15, s7;
	s18 =	sadd.s32 $0x4800, s0;
	s8 =	sadd.s32 s1, s24  }
0x11: {  	s9 =	sshrl.u32 s9, $0x3;
	s13 =	sshrl.u32 s13, $0x3;
	s15 =	sshrl.u32 s11, $0x3  }
0x12: {  	[dreg:$0x4] =	wrdreg s8;
	s25 =	sadd.s32 s1, s9;
	s10 =	sadd.s32 s1, s13  }
0x13: {  	s13 =	sshrl.u32 s26, $0x3;
	s26 =	simm.s32 $0x18700;
	[dreg:$0x5] =	wrdreg s25  }
0x14: {  	s12 =	sadd.s32 s1, s13;
	s13 =	sadd.s32 s5, s15;
	s15 =	sor.u32 $0x61800, s7  }
.LBB2_1:
0x15: {  	s0 =	rddreg [dreg:$0x4]  }
0x16: {  	[tilespmem:s4], [sflag:$0x1] =	stream.strided.gather [hbm4b:s0+s20], $0x6180, s21, s20, $0x38;
	[tilespmem:$0x1E700] =	vst v63  }
0x17: {  	s22 =	rddreg [dreg:$0x5];
	s3 =	simm.s32 $0x6180  }
0x18: {  	[tilespmem:s3], [sflag:$0x1] =	stream.strided.gather [hbm4b:s22+s20], $0x6180, s21, s20, $0x38;
	[tilespmem:$0x1E700] =	vst v63  }
0x19: {  	s23 =	simm.s32 $0xC300  }
0x1a: {  	[tilespmem:s23], [sflag:$0x1] =	stream.strided.gather [hbm4b:s10+s20], $0x6180, s21, s20, $0x38;
	[tilespmem:$0x1E700] =	vst v63  }
0x1b: {  	s24 =	simm.s32 $0x12480  }
0x1c: {  	[tilespmem:s24], [sflag:$0x1] =	stream.strided.gather [hbm4b:s12+s20], $0x6200, s21, s20, $0x38;
	[tilespmem:$0x1E700] =	vst v63  }
0x1d: {  	s25 =	simm.s32 $0x18680;
	s0 =	simm.s32 $0x0  }
0x1e: {  	[tilespmem:s25], [sflag:$0x1] =	stream.linear.gather [hbm4b:s13+s4], $0x80, $0x38;
	[tilespmem:$0x1E700] =	vst v63  }
.LBB2_2:
0x1f: {  	s3 =	sshll.u32 s0, $0xB;
	s22 =	sshll.u32 s0, $0x4  }
0x20: {  	s3 =	sand.u32 $0xC000, s3;
	s22 =	sand.u32 $0x70, s22  }
0x21: {  	s3 =	sor.u32 s22, s3  }
0x22: {  	s22 =	sadd.s32 s2, s3  }
0x23: {  	[tilespmem:s26], [sflag:$0x2] =	stream.strided.gather [hbm4b:s22+s20], $0x2000, s21, s20, $0x38;
	[tilespmem:$0x1E700] =	vst v63  }
0x24: {  	_ =	swait.ge [sflag:s28], $0x2000  }
0x25: {  	[sflag:s28] =	ssyncset.done $0x0  }
0x26: {  	[sflag:s28] =	ssyncadd.s32 $0xFFFFE000  }
0x27: {  	_ =	swait.ge [sflag:s29], $0x6180  }
0x28: {  	[sflag:s29] =	ssyncset.done $0x0  }
0x29: {  	[sflag:s29] =	ssyncadd.s32 $0xFFFF9E80  }
0x2a: {  	_ =	swait.ge [sflag:s29], $0x6180  }
0x2b: {  	[sflag:s29] =	ssyncset.done $0x0  }
0x2c: {  	[sflag:s29] =	ssyncadd.s32 $0xFFFF9E80  }
0x2d: {  	_ =	swait.ge [sflag:s29], $0x6180  }
0x2e: {  	[sflag:s29] =	ssyncset.done $0x0  }
0x2f: {  	[sflag:s29] =	ssyncadd.s32 $0xFFFF9E80  }
0x30: {  	_ =	swait.ge [sflag:s29], $0x6200  }
0x31: {  	[sflag:s29] =	ssyncset.done $0x0  }
0x32: {  	[sflag:s29] =	ssyncadd.s32 $0xFFFF9E00  }
0x33: {  	_ =	swait.ge [sflag:s29], $0x80  }
0x34: {  	[sflag:s29] =	ssyncset.done $0x0  }
0x35: {  	s22 =	simm.s32 $0x0;
	[sflag:s29] =	ssyncadd.s32 $0xFFFFFF80  }
0x36: {  	v0 =	vld [tilespmem:s22+$0x18700];
	_ =	sdelay $0x5  }
0x37: {  	v1 =	vld [tilespmem:s22+$0x18710];
	_ =	sdelay $0x1  }
0x38: {  	v0 =	vld.idx.msk [tilespmem:v0+s4+$0x0], $0xffff;
	_ =	sdelay $0x4  }
0x39: {  	[tilespmem:s22+$0x1A700] =	vst v0;
	v0 =	vld [tilespmem:s22+$0x18720]  }
0x3a: {  	v1 =	vld.idx.msk [tilespmem:v1+s4+$0x0], $0xffff;
	_ =	sdelay $0x4  }
0x3b: {  	[tilespmem:s22+$0x1A710] =	vst v1;
	v1 =	vld [tilespmem:s22+$0x18730];
	_ =	sdelay $0x1  }
0x3c: {  	v0 =	vld.idx.msk [tilespmem:v0+s4+$0x0], $0xffff;
	_ =	sdelay $0x4  }
0x3d: {  	[tilespmem:s22+$0x1A720] =	vst v0;
	v0 =	vld [tilespmem:s22+$0x18740]  }
0x3e: {  	v1 =	vld.idx.msk [tilespmem:v1+s4+$0x0], $0xffff;
	_ =	sdelay $0x4  }
0x3f: {  	[tilespmem:s22+$0x1A730] =	vst v1;
	v1 =	vld [tilespmem:s22+$0x18750];
	_ =	sdelay $0x1  }
0x40: {  	v0 =	vld.idx.msk [tilespmem:v0+s4+$0x0], $0xffff;
	_ =	sdelay $0x4  }
0x41: {  	[tilespmem:s22+$0x1A740] =	vst v0;
	v0 =	vld [tilespmem:s22+$0x18760]  }
0x42: {  	v1 =	vld.idx.msk [tilespmem:v1+s4+$0x0], $0xffff;
	_ =	sdelay $0x4  }
0x43: {  	[tilespmem:s22+$0x1A750] =	vst v1;
	v1 =	vld [tilespmem:s22+$0x18770];
	_ =	sdelay $0x1  }
0x44: {  	v0 =	vld.idx.msk [tilespmem:v0+s4+$0x0], $0xffff;
	_ =	sdelay $0x4  }
0x45: {  	[tilespmem:s22+$0x1A760] =	vst v0;
	v0 =	vld [tilespmem:s22+$0x18780]  }
0x46: {  	v1 =	vld.idx.msk [tilespmem:v1+s4+$0x0], $0xffff;
	_ =	sdelay $0x4  }
0x47: {  	[tilespmem:s22+$0x1A770] =	vst v1;
	v1 =	vld [tilespmem:s22+$0x18790];
	_ =	sdelay $0x1  }
0x48: {  	v0 =	vld.idx.msk [tilespmem:v0+s4+$0x0], $0xffff;
	_ =	sdelay $0x4  }
0x49: {  	[tilespmem:s22+$0x1A780] =	vst v0;
	v0 =	vld [tilespmem:s22+$0x187A0]  }
0x4a: {  	v1 =	vld.idx.msk [tilespmem:v1+s4+$0x0], $0xffff;
	_ =	sdelay $0x4  }
0x4b: {  	[tilespmem:s22+$0x1A790] =	vst v1;
	v1 =	vld [tilespmem:s22+$0x187B0];
	_ =	sdelay $0x1  }
0x4c: {  	v0 =	vld.idx.msk [tilespmem:v0+s4+$0x0], $0xffff;
	_ =	sdelay $0x4  }
0x4d: {  	[tilespmem:s22+$0x1A7A0] =	vst v0;
	v0 =	vld [tilespmem:s22+$0x187C0]  }
0x4e: {  	v1 =	vld.idx.msk [tilespmem:v1+s4+$0x0], $0xffff;
	_ =	sdelay $0x4  }
0x4f: {  	[tilespmem:s22+$0x1A7B0] =	vst v1;
	v1 =	vld [tilespmem:s22+$0x187D0];
	_ =	sdelay $0x1  }
0x50: {  	v0 =	vld.idx.msk [tilespmem:v0+s4+$0x0], $0xffff;
	_ =	sdelay $0x4  }
0x51: {  	v2 =	vld [tilespmem:s22+$0x187E0];
	[tilespmem:s22+$0x1A7C0] =	vst v0  }
0x52: {  	v0 =	vld.idx.msk [tilespmem:v1+s4+$0x0], $0xffff;
	_ =	sdelay $0x4  }
0x53: {  	[tilespmem:s22+$0x1A7D0] =	vst v0;
	v0 =	vld [tilespmem:s22+$0x187F0];
	_ =	sdelay $0x1  }
0x54: {  	v1 =	vld.idx.msk [tilespmem:v2+s4+$0x0], $0xffff;
	_ =	sdelay $0x3  }
0x55: {  	s24 =	simm.s32 $0x100;
	s23 =	simm.s32 $0x800  }
.LBB2_3:
0x56: {  	p0 =	sne.s32 s23, $0x7C00;
	v2 =	vld [tilespmem:s24+$0x18700];
	[tilespmem:s22+$0x1A7E0] =	vst v1  }
0x57: {  	v0 =	vld.idx.msk [tilespmem:v0+s4+$0x0], $0xffff;
	_ =	sdelay $0x5  }
0x58: {  	v1 =	vld [tilespmem:s24+$0x18710];
	[tilespmem:s22+$0x1A7F0] =	vst v0;
	s22 =	smov.u32 s24  }
0x59: {  	v0 =	vld.idx.msk [tilespmem:v2+s4+$0x0], $0xffff;
	_ =	sdelay $0x5  }
0x5a: {  	[tilespmem:s22+$0x1A700] =	vst v0;
	v0 =	vld [tilespmem:s22+$0x18720]  }
0x5b: {  	v1 =	vld.idx.msk [tilespmem:v1+s4+$0x0], $0xffff;
	_ =	sdelay $0x5  }
0x5c: {  	[tilespmem:s22+$0x1A710] =	vst v1;
	v1 =	vld [tilespmem:s22+$0x18730]  }
0x5d: {  	v0 =	vld.idx.msk [tilespmem:v0+s4+$0x0], $0xffff;
	_ =	sdelay $0x5  }
0x5e: {  	[tilespmem:s22+$0x1A720] =	vst v0;
	v0 =	vld [tilespmem:s22+$0x18740]  }
0x5f: {  	v1 =	vld.idx.msk [tilespmem:v1+s4+$0x0], $0xffff;
	_ =	sdelay $0x5  }
0x60: {  	[tilespmem:s22+$0x1A730] =	vst v1;
	v1 =	vld [tilespmem:s22+$0x18750]  }
0x61: {  	v0 =	vld.idx.msk [tilespmem:v0+s4+$0x0], $0xffff;
	_ =	sdelay $0x5  }
0x62: {  	[tilespmem:s22+$0x1A740] =	vst v0;
	v0 =	vld [tilespmem:s22+$0x18760]  }
0x63: {  	v1 =	vld.idx.msk [tilespmem:v1+s4+$0x0], $0xffff;
	_ =	sdelay $0x5  }
0x64: {  	[tilespmem:s22+$0x1A750] =	vst v1;
	v1 =	vld [tilespmem:s22+$0x18770]  }
0x65: {  	v0 =	vld.idx.msk [tilespmem:v0+s4+$0x0], $0xffff;
	_ =	sdelay $0x5  }
0x66: {  	[tilespmem:s22+$0x1A760] =	vst v0;
	v0 =	vld [tilespmem:s22+$0x18780]  }
0x67: {  	v1 =	vld.idx.msk [tilespmem:v1+s4+$0x0], $0xffff;
	_ =	sdelay $0x5  }
0x68: {  	[tilespmem:s22+$0x1A770] =	vst v1;
	v1 =	vld [tilespmem:s22+$0x18790]  }
0x69: {  	v0 =	vld.idx.msk [tilespmem:v0+s4+$0x0], $0xffff;
	_ =	sdelay $0x5  }
0x6a: {  	[tilespmem:s22+$0x1A780] =	vst v0;
	v0 =	vld [tilespmem:s22+$0x187A0]  }
0x6b: {  	v1 =	vld.idx.msk [tilespmem:v1+s4+$0x0], $0xffff;
	_ =	sdelay $0x5  }
0x6c: {  	[tilespmem:s22+$0x1A790] =	vst v1;
	v1 =	vld [tilespmem:s22+$0x187B0]  }
0x6d: {  	v0 =	vld.idx.msk [tilespmem:v0+s4+$0x0], $0xffff;
	_ =	sdelay $0x5  }
0x6e: {  	[tilespmem:s22+$0x1A7A0] =	vst v0;
	v0 =	vld [tilespmem:s22+$0x187C0]  }
0x6f: {  	v1 =	vld.idx.msk [tilespmem:v1+s4+$0x0], $0xffff;
	_ =	sdelay $0x5  }
0x70: {  	[tilespmem:s22+$0x1A7B0] =	vst v1;
	v1 =	vld [tilespmem:s22+$0x187D0]  }
0x71: {  	v0 =	vld.idx.msk [tilespmem:v0+s4+$0x0], $0xffff;
	_ =	sdelay $0x5  }
0x72: {  	[tilespmem:s22+$0x1A7C0] =	vst v0;
	v2 =	vld [tilespmem:s22+$0x187E0]  }
0x73: {  	v0 =	vld.idx.msk [tilespmem:v1+s4+$0x0], $0xffff;
	_ =	sdelay $0x5  }
0x74: {  	[tilespmem:s22+$0x1A7D0] =	vst v0;
	v0 =	vld [tilespmem:s22+$0x187F0]  }
0x75: {  	v1 =	vld.idx.msk [tilespmem:v2+s4+$0x0], $0xffff  }
.Ltmp0:
0x76: {  	(pc) =	sbr.rel @p0 .LBB2_3-.Ltmp0, $2  }
0x77: {  	_ =	sdelay $0x2  }
0x78: {  	s24 =	sshra.s32 s23, $0x2;
	s23 =	sadd.s32 $0x400, s23  }
0x79: {  	_ =	sdelay $0x1  }
0x7a: {  	v2 =	vld [tilespmem:s24+$0x18700]  }
0x7b: {  	[tilespmem:s22+$0x1A7E0] =	vst v1  }
0x7c: {  	v0 =	vld.idx.msk [tilespmem:v0+s4+$0x0], $0xffff;
	_ =	sdelay $0x3  }
0x7d: {  	v1 =	vld [tilespmem:s24+$0x18710]  }
0x7e: {  	[tilespmem:s22+$0x1A7F0] =	vst v0  }
0x7f: {  	v0 =	vld.idx.msk [tilespmem:v2+s4+$0x0], $0xffff;
	_ =	sdelay $0x4  }
0x80: {  	[tilespmem:s24+$0x1A700] =	vst v0;
	v0 =	vld [tilespmem:s24+$0x18720]  }
0x81: {  	v1 =	vld.idx.msk [tilespmem:v1+s4+$0x0], $0xffff;
	_ =	sdelay $0x4  }
0x82: {  	[tilespmem:s24+$0x1A710] =	vst v1;
	v1 =	vld [tilespmem:s24+$0x18730];
	_ =	sdelay $0x1  }
0x83: {  	v0 =	vld.idx.msk [tilespmem:v0+s4+$0x0], $0xffff;
	_ =	sdelay $0x4  }
0x84: {  	[tilespmem:s24+$0x1A720] =	vst v0;
	v0 =	vld [tilespmem:s24+$0x18740]  }
0x85: {  	v1 =	vld.idx.msk [tilespmem:v1+s4+$0x0], $0xffff;
	_ =	sdelay $0x4  }
0x86: {  	[tilespmem:s24+$0x1A730] =	vst v1;
	v1 =	vld [tilespmem:s24+$0x18750];
	_ =	sdelay $0x1  }
0x87: {  	v0 =	vld.idx.msk [tilespmem:v0+s4+$0x0], $0xffff;
	_ =	sdelay $0x4  }
0x88: {  	[tilespmem:s24+$0x1A740] =	vst v0;
	v0 =	vld [tilespmem:s24+$0x18760]  }
0x89: {  	v1 =	vld.idx.msk [tilespmem:v1+s4+$0x0], $0xffff;
	_ =	sdelay $0x4  }
0x8a: {  	[tilespmem:s24+$0x1A750] =	vst v1;
	v1 =	vld [tilespmem:s24+$0x18770];
	_ =	sdelay $0x1  }
0x8b: {  	v0 =	vld.idx.msk [tilespmem:v0+s4+$0x0], $0xffff;
	_ =	sdelay $0x4  }
0x8c: {  	[tilespmem:s24+$0x1A760] =	vst v0;
	v0 =	vld [tilespmem:s24+$0x18780]  }
0x8d: {  	v1 =	vld.idx.msk [tilespmem:v1+s4+$0x0], $0xffff;
	_ =	sdelay $0x4  }
0x8e: {  	[tilespmem:s24+$0x1A770] =	vst v1;
	v1 =	vld [tilespmem:s24+$0x18790];
	_ =	sdelay $0x1  }
0x8f: {  	v0 =	vld.idx.msk [tilespmem:v0+s4+$0x0], $0xffff;
	_ =	sdelay $0x4  }
0x90: {  	[tilespmem:s24+$0x1A780] =	vst v0;
	v0 =	vld [tilespmem:s24+$0x187A0]  }
0x91: {  	v1 =	vld.idx.msk [tilespmem:v1+s4+$0x0], $0xffff;
	_ =	sdelay $0x4  }
0x92: {  	[tilespmem:s24+$0x1A790] =	vst v1;
	v1 =	vld [tilespmem:s24+$0x187B0];
	_ =	sdelay $0x1  }
0x93: {  	v0 =	vld.idx.msk [tilespmem:v0+s4+$0x0], $0xffff;
	_ =	sdelay $0x4  }
0x94: {  	[tilespmem:s24+$0x1A7A0] =	vst v0;
	v0 =	vld [tilespmem:s24+$0x187C0]  }
0x95: {  	v1 =	vld.idx.msk [tilespmem:v1+s4+$0x0], $0xffff;
	_ =	sdelay $0x4  }
0x96: {  	[tilespmem:s24+$0x1A7B0] =	vst v1;
	v1 =	vld [tilespmem:s24+$0x187D0];
	_ =	sdelay $0x1  }
0x97: {  	v0 =	vld.idx.msk [tilespmem:v0+s4+$0x0], $0xffff;
	_ =	sdelay $0x4  }
0x98: {  	[tilespmem:s24+$0x1A7C0] =	vst v0;
	v0 =	vld [tilespmem:s24+$0x187E0]  }
0x99: {  	v1 =	vld.idx.msk [tilespmem:v1+s4+$0x0], $0xffff;
	_ =	sdelay $0x4  }
0x9a: {  	[tilespmem:s24+$0x1A7D0] =	vst v1;
	v1 =	vld [tilespmem:s24+$0x187F0];
	_ =	sdelay $0x1  }
0x9b: {  	v0 =	vld.idx.msk [tilespmem:v0+s4+$0x0], $0xffff;
	_ =	sdelay $0x4  }
0x9c: {  	[tilespmem:s24+$0x1A7E0] =	vst v0  }
0x9d: {  	v0 =	vld.idx.msk [tilespmem:v1+s4+$0x0], $0xffff;
	_ =	sdelay $0x4  }
0x9e: {  	s3 =	sadd.s32 s3, s17;
	[tilespmem:s24+$0x1A7F0] =	vst v0  }
0x9f: {  	[tilespmem:s26], [sflag:$0x2] =	stream.strided.gather [hbm4b:s3+s20], $0x2000, s21, s20, $0x38;
	[tilespmem:$0x1E700] =	vst v63  }
0xa0: {  	_ =	swait.ge [sflag:s28], $0x2000  }
0xa1: {  	[sflag:s28] =	ssyncset.done $0x0  }
0xa2: {  	s3 =	simm.s32 $0x0;
	[sflag:s28] =	ssyncadd.s32 $0xFFFFE000  }
0xa3: {  	v0 =	vld [tilespmem:s3+$0x18700];
	_ =	sdelay $0x5  }
0xa4: {  	v1 =	vld [tilespmem:s3+$0x18710];
	_ =	sdelay $0x1  }
0xa5: {  	v0 =	vld.idx.msk [tilespmem:v0+s4+$0x0], $0xffff;
	_ =	sdelay $0x4  }
0xa6: {  	[tilespmem:s3+$0x1C700] =	vst v0;
	v0 =	vld [tilespmem:s3+$0x18720]  }
0xa7: {  	v1 =	vld.idx.msk [tilespmem:v1+s4+$0x0], $0xffff;
	_ =	sdelay $0x4  }
0xa8: {  	[tilespmem:s3+$0x1C710] =	vst v1;
	v1 =	vld [tilespmem:s3+$0x18730];
	_ =	sdelay $0x1  }
0xa9: {  	v0 =	vld.idx.msk [tilespmem:v0+s4+$0x0], $0xffff;
	_ =	sdelay $0x4  }
0xaa: {  	[tilespmem:s3+$0x1C720] =	vst v0;
	v0 =	vld [tilespmem:s3+$0x18740]  }
0xab: {  	v1 =	vld.idx.msk [tilespmem:v1+s4+$0x0], $0xffff;
	_ =	sdelay $0x4  }
0xac: {  	[tilespmem:s3+$0x1C730] =	vst v1;
	v1 =	vld [tilespmem:s3+$0x18750];
	_ =	sdelay $0x1  }
0xad: {  	v0 =	vld.idx.msk [tilespmem:v0+s4+$0x0], $0xffff;
	_ =	sdelay $0x4  }
0xae: {  	[tilespmem:s3+$0x1C740] =	vst v0;
	v0 =	vld [tilespmem:s3+$0x18760]  }
0xaf: {  	v1 =	vld.idx.msk [tilespmem:v1+s4+$0x0], $0xffff;
	_ =	sdelay $0x4  }
0xb0: {  	[tilespmem:s3+$0x1C750] =	vst v1;
	v1 =	vld [tilespmem:s3+$0x18770];
	_ =	sdelay $0x1  }
0xb1: {  	v0 =	vld.idx.msk [tilespmem:v0+s4+$0x0], $0xffff;
	_ =	sdelay $0x4  }
0xb2: {  	[tilespmem:s3+$0x1C760] =	vst v0;
	v0 =	vld [tilespmem:s3+$0x18780]  }
0xb3: {  	v1 =	vld.idx.msk [tilespmem:v1+s4+$0x0], $0xffff;
	_ =	sdelay $0x4  }
0xb4: {  	[tilespmem:s3+$0x1C770] =	vst v1;
	v1 =	vld [tilespmem:s3+$0x18790];
	_ =	sdelay $0x1  }
0xb5: {  	v0 =	vld.idx.msk [tilespmem:v0+s4+$0x0], $0xffff;
	_ =	sdelay $0x4  }
0xb6: {  	[tilespmem:s3+$0x1C780] =	vst v0;
	v0 =	vld [tilespmem:s3+$0x187A0]  }
0xb7: {  	v1 =	vld.idx.msk [tilespmem:v1+s4+$0x0], $0xffff;
	_ =	sdelay $0x4  }
0xb8: {  	[tilespmem:s3+$0x1C790] =	vst v1;
	v1 =	vld [tilespmem:s3+$0x187B0];
	_ =	sdelay $0x1  }
0xb9: {  	v0 =	vld.idx.msk [tilespmem:v0+s4+$0x0], $0xffff;
	_ =	sdelay $0x4  }
0xba: {  	[tilespmem:s3+$0x1C7A0] =	vst v0;
	v0 =	vld [tilespmem:s3+$0x187C0]  }
0xbb: {  	v1 =	vld.idx.msk [tilespmem:v1+s4+$0x0], $0xffff;
	_ =	sdelay $0x4  }
0xbc: {  	[tilespmem:s3+$0x1C7B0] =	vst v1;
	v1 =	vld [tilespmem:s3+$0x187D0];
	_ =	sdelay $0x1  }
0xbd: {  	v0 =	vld.idx.msk [tilespmem:v0+s4+$0x0], $0xffff;
	_ =	sdelay $0x4  }
0xbe: {  	v2 =	vld [tilespmem:s3+$0x187E0];
	[tilespmem:s3+$0x1C7C0] =	vst v0  }
0xbf: {  	v0 =	vld.idx.msk [tilespmem:v1+s4+$0x0], $0xffff;
	_ =	sdelay $0x4  }
0xc0: {  	[tilespmem:s3+$0x1C7D0] =	vst v0;
	v0 =	vld [tilespmem:s3+$0x187F0];
	_ =	sdelay $0x1  }
0xc1: {  	v1 =	vld.idx.msk [tilespmem:v2+s4+$0x0], $0xffff;
	_ =	sdelay $0x3  }
0xc2: {  	s23 =	simm.s32 $0x100;
	s22 =	simm.s32 $0x800  }
.LBB2_5:
0xc3: {  	p0 =	sne.s32 s22, $0x7C00;
	v2 =	vld [tilespmem:s23+$0x18700];
	[tilespmem:s3+$0x1C7E0] =	vst v1  }
0xc4: {  	v0 =	vld.idx.msk [tilespmem:v0+s4+$0x0], $0xffff;
	_ =	sdelay $0x5  }
0xc5: {  	v1 =	vld [tilespmem:s23+$0x18710];
	[tilespmem:s3+$0x1C7F0] =	vst v0;
	s3 =	smov.u32 s23  }
0xc6: {  	v0 =	vld.idx.msk [tilespmem:v2+s4+$0x0], $0xffff;
	_ =	sdelay $0x5  }
0xc7: {  	[tilespmem:s3+$0x1C700] =	vst v0;
	v0 =	vld [tilespmem:s3+$0x18720]  }
0xc8: {  	v1 =	vld.idx.msk [tilespmem:v1+s4+$0x0], $0xffff;
	_ =	sdelay $0x5  }
0xc9: {  	[tilespmem:s3+$0x1C710] =	vst v1;
	v1 =	vld [tilespmem:s3+$0x18730]  }
0xca: {  	v0 =	vld.idx.msk [tilespmem:v0+s4+$0x0], $0xffff;
	_ =	sdelay $0x5  }
0xcb: {  	[tilespmem:s3+$0x1C720] =	vst v0;
	v0 =	vld [tilespmem:s3+$0x18740]  }
0xcc: {  	v1 =	vld.idx.msk [tilespmem:v1+s4+$0x0], $0xffff;
	_ =	sdelay $0x5  }
0xcd: {  	[tilespmem:s3+$0x1C730] =	vst v1;
	v1 =	vld [tilespmem:s3+$0x18750]  }
0xce: {  	v0 =	vld.idx.msk [tilespmem:v0+s4+$0x0], $0xffff;
	_ =	sdelay $0x5  }
0xcf: {  	[tilespmem:s3+$0x1C740] =	vst v0;
	v0 =	vld [tilespmem:s3+$0x18760]  }
0xd0: {  	v1 =	vld.idx.msk [tilespmem:v1+s4+$0x0], $0xffff;
	_ =	sdelay $0x5  }
0xd1: {  	[tilespmem:s3+$0x1C750] =	vst v1;
	v1 =	vld [tilespmem:s3+$0x18770]  }
0xd2: {  	v0 =	vld.idx.msk [tilespmem:v0+s4+$0x0], $0xffff;
	_ =	sdelay $0x5  }
0xd3: {  	[tilespmem:s3+$0x1C760] =	vst v0;
	v0 =	vld [tilespmem:s3+$0x18780]  }
0xd4: {  	v1 =	vld.idx.msk [tilespmem:v1+s4+$0x0], $0xffff;
	_ =	sdelay $0x5  }
0xd5: {  	[tilespmem:s3+$0x1C770] =	vst v1;
	v1 =	vld [tilespmem:s3+$0x18790]  }
0xd6: {  	v0 =	vld.idx.msk [tilespmem:v0+s4+$0x0], $0xffff;
	_ =	sdelay $0x5  }
0xd7: {  	[tilespmem:s3+$0x1C780] =	vst v0;
	v0 =	vld [tilespmem:s3+$0x187A0]  }
0xd8: {  	v1 =	vld.idx.msk [tilespmem:v1+s4+$0x0], $0xffff;
	_ =	sdelay $0x5  }
0xd9: {  	[tilespmem:s3+$0x1C790] =	vst v1;
	v1 =	vld [tilespmem:s3+$0x187B0]  }
0xda: {  	v0 =	vld.idx.msk [tilespmem:v0+s4+$0x0], $0xffff;
	_ =	sdelay $0x5  }
0xdb: {  	[tilespmem:s3+$0x1C7A0] =	vst v0;
	v0 =	vld [tilespmem:s3+$0x187C0]  }
0xdc: {  	v1 =	vld.idx.msk [tilespmem:v1+s4+$0x0], $0xffff;
	_ =	sdelay $0x5  }
0xdd: {  	[tilespmem:s3+$0x1C7B0] =	vst v1;
	v1 =	vld [tilespmem:s3+$0x187D0]  }
0xde: {  	v0 =	vld.idx.msk [tilespmem:v0+s4+$0x0], $0xffff;
	_ =	sdelay $0x5  }
0xdf: {  	[tilespmem:s3+$0x1C7C0] =	vst v0;
	v2 =	vld [tilespmem:s3+$0x187E0]  }
0xe0: {  	v0 =	vld.idx.msk [tilespmem:v1+s4+$0x0], $0xffff;
	_ =	sdelay $0x5  }
0xe1: {  	[tilespmem:s3+$0x1C7D0] =	vst v0;
	v0 =	vld [tilespmem:s3+$0x187F0]  }
0xe2: {  	v1 =	vld.idx.msk [tilespmem:v2+s4+$0x0], $0xffff  }
.Ltmp1:
0xe3: {  	(pc) =	sbr.rel @p0 .LBB2_5-.Ltmp1, $2  }
0xe4: {  	_ =	sdelay $0x2  }
0xe5: {  	s23 =	sshra.s32 s22, $0x2;
	s22 =	sadd.s32 $0x400, s22  }
0xe6: {  	_ =	sdelay $0x1  }
0xe7: {  	v2 =	vld [tilespmem:s23+$0x18700]  }
0xe8: {  	[tilespmem:s3+$0x1C7E0] =	vst v1  }
0xe9: {  	v0 =	vld.idx.msk [tilespmem:v0+s4+$0x0], $0xffff;
	_ =	sdelay $0x3  }
0xea: {  	v1 =	vld [tilespmem:s23+$0x18710]  }
0xeb: {  	[tilespmem:s3+$0x1C7F0] =	vst v0  }
0xec: {  	v0 =	vld.idx.msk [tilespmem:v2+s4+$0x0], $0xffff;
	_ =	sdelay $0x3  }
0xed: {  	v50 =	vld [tilespmem:s23+$0x18720]  }
0xee: {  	[tilespmem:s23+$0x1C700] =	vst v0  }
0xef: {  	v1 =	vld.idx.msk [tilespmem:v1+s4+$0x0], $0xffff;
	_ =	sdelay $0x3  }
0xf0: {  	v51 =	vld [tilespmem:s23+$0x18730]  }
0xf1: {  	[tilespmem:s23+$0x1C710] =	vst v1  }
0xf2: {  	v0 =	vld.idx.msk [tilespmem:v50+s4+$0x0], $0xffff;
	_ =	sdelay $0x3  }
0xf3: {  	v52 =	vld [tilespmem:s23+$0x18740]  }
0xf4: {  	[tilespmem:s23+$0x1C720] =	vst v0  }
0xf5: {  	v1 =	vld.idx.msk [tilespmem:v51+s4+$0x0], $0xffff;
	_ =	sdelay $0x3  }
0xf6: {  	v53 =	vld [tilespmem:s23+$0x18750]  }
0xf7: {  	[tilespmem:s23+$0x1C730] =	vst v1  }
0xf8: {  	v0 =	vld.idx.msk [tilespmem:v52+s4+$0x0], $0xffff;
	_ =	sdelay $0x3  }
0xf9: {  	v54 =	vld [tilespmem:s23+$0x18760]  }
0xfa: {  	[tilespmem:s23+$0x1C740] =	vst v0  }
0xfb: {  	v1 =	vld.idx.msk [tilespmem:v53+s4+$0x0], $0xffff;
	_ =	sdelay $0x3  }
0xfc: {  	v55 =	vld [tilespmem:s23+$0x18770]  }
0xfd: {  	[tilespmem:s23+$0x1C750] =	vst v1  }
0xfe: {  	v0 =	vld.idx.msk [tilespmem:v54+s4+$0x0], $0xffff;
	_ =	sdelay $0x3  }
0xff: {  	v56 =	vld [tilespmem:s23+$0x18780]  }
0x100: {  	[tilespmem:s23+$0x1C760] =	vst v0  }
0x101: {  	v1 =	vld.idx.msk [tilespmem:v55+s4+$0x0], $0xffff;
	_ =	sdelay $0x3  }
0x102: {  	v57 =	vld [tilespmem:s23+$0x18790]  }
0x103: {  	[tilespmem:s23+$0x1C770] =	vst v1  }
0x104: {  	v0 =	vld.idx.msk [tilespmem:v56+s4+$0x0], $0xffff;
	_ =	sdelay $0x3  }
0x105: {  	v58 =	vld [tilespmem:s23+$0x187A0]  }
0x106: {  	[tilespmem:s23+$0x1C780] =	vst v0  }
0x107: {  	v1 =	vld.idx.msk [tilespmem:v57+s4+$0x0], $0xffff;
	_ =	sdelay $0x3  }
0x108: {  	v59 =	vld [tilespmem:s23+$0x187B0]  }
0x109: {  	[tilespmem:s23+$0x1C790] =	vst v1  }
0x10a: {  	v0 =	vld.idx.msk [tilespmem:v58+s4+$0x0], $0xffff;
	_ =	sdelay $0x3  }
0x10b: {  	v60 =	vld [tilespmem:s23+$0x187C0]  }
0x10c: {  	[tilespmem:s23+$0x1C7A0] =	vst v0  }
0x10d: {  	v1 =	vld.idx.msk [tilespmem:v59+s4+$0x0], $0xffff;
	_ =	sdelay $0x3  }
0x10e: {  	v61 =	vld [tilespmem:s23+$0x187D0]  }
0x10f: {  	[tilespmem:s23+$0x1C7B0] =	vst v1  }
0x110: {  	v0 =	vld.idx.msk [tilespmem:v60+s4+$0x0], $0xffff;
	_ =	sdelay $0x3  }
0x111: {  	v62 =	vld [tilespmem:s23+$0x187E0]  }
0x112: {  	[tilespmem:s23+$0x1C7C0] =	vst v0  }
0x113: {  	v1 =	vld.idx.msk [tilespmem:v61+s4+$0x0], $0xffff;
	_ =	sdelay $0x3  }
0x114: {  	v63 =	vld [tilespmem:s23+$0x187F0]  }
0x115: {  	[tilespmem:s23+$0x1C7D0] =	vst v1  }
0x116: {  	v0 =	vld.idx.msk [tilespmem:v62+s4+$0x0], $0xffff;
	_ =	sdelay $0x4  }
0x117: {  	p0 =	seq.s32 s0, $0x19;
	s3 =	sadd.s32 $0x1, s0;
	[tilespmem:s23+$0x1C7E0] =	vst v0  }
0x118: {  	s22 =	smul.u32 @!p0 $0x30E000, s3;
	v0 =	vld.idx.msk [tilespmem:v63+s4+$0x0], $0xffff;
	_ =	sdelay $0x1  }
0x119: {  	s22 =	sadd.s32 @!p0 s6, s22  }
0x11a: {  	s24 =	sor.u32 @!p0 s7, s22  }
0x11b: {  	s25 =	simm.s32 @!p0 $0x400;
	s24 =	sshrl.u32 @!p0 s24, $0x3  }
0x11c: {  	s8 =	simm.s32 @!p0 $0x0;
	s24 =	sadd.s32 @!p0 s1, s24;
	[tilespmem:s23+$0x1C7F0] =	vst v0;
	s23 =	simm.s32 @!p0 $0x80  }
0x11d: {  	[tilespmem:s8], [sflag:$0x1] =	stream.strided.gather @!p0 [hbm4b:s24+s23], $0x6180, s25, s23, $0x38;
	[tilespmem:$0x1E700] =	vst v63  }
0x11e: {  	s24 =	sadd.s32 @!p0 s14, s22  }
0x11f: {  	s24 =	sshrl.u32 @!p0 s24, $0x3  }
0x120: {  	s9 =	simm.s32 @!p0 $0x6180;
	s24 =	sadd.s32 @!p0 s1, s24  }
0x121: {  	[tilespmem:s9], [sflag:$0x1] =	stream.strided.gather @!p0 [hbm4b:s24+s23], $0x6180, s25, s23, $0x38;
	[tilespmem:$0x1E700] =	vst v63  }
0x122: {  	s9 =	sadd.s32 @!p0 s15, s22  }
0x123: {  	s9 =	sshrl.u32 @!p0 s9, $0x3  }
0x124: {  	s24 =	simm.s32 @!p0 $0xC300;
	s9 =	sadd.s32 @!p0 s1, s9  }
0x125: {  	[tilespmem:s24], [sflag:$0x1] =	stream.strided.gather @!p0 [hbm4b:s9+s23], $0x6180, s25, s23, $0x38;
	[tilespmem:$0x1E700] =	vst v63  }
0x126: {  	s9 =	sadd.s32 @!p0 s16, s22  }
0x127: {  	s9 =	sshrl.u32 @!p0 s9, $0x3  }
0x128: {  	s22 =	simm.s32 @!p0 $0x12480;
	s9 =	sadd.s32 @!p0 s1, s9  }
0x129: {  	[tilespmem:s22], [sflag:$0x1] =	stream.strided.gather @!p0 [hbm4b:s9+s23], $0x6200, s25, s23, $0x38;
	[tilespmem:$0x1E700] =	vst v63  }
0x12a: {  	s9 =	sshll.u32 @!p0 s3, $0xC  }
0x12b: {  	s9 =	sor.u32 @!p0 s11, s9  }
0x12c: {  	s9 =	sshrl.u32 @!p0 s9, $0x3  }
0x12d: {  	s22 =	simm.s32 @!p0 $0x18680;
	s9 =	sadd.s32 @!p0 s5, s9  }
0x12e: {  	[tilespmem:s22], [sflag:$0x1] =	stream.linear.gather @!p0 [hbm4b:s9+s8], $0x80, $0x38;
	[tilespmem:$0x1E700] =	vst v63  }
0x12f: {  	s25 =	sshll.u32 s0, $0x10;
	p0 =	sne.s32 s3, $0x1A  }
.Ltmp2:
0x130: {  	s0 =	sadd.s32 s25, s18;
	(pc) =	sbr.rel @p0 .LBB2_2-.Ltmp2, $4  }
0x131: {  	[hbm4b:s0+s20] =	stream.strided.scatter [tilespmem:s30], [sflag:$0x2], $0x4000, s21, s20, $0x38;
	[tilespmem:$0x1E700] =	vst v63  }
0x132: {  	_ =	swait.ge [sflag:s28], $0x4000  }
0x133: {  	[sflag:s28] =	ssyncset.done $0x0  }
0x134: {  	s0 =	smov.u32 s3;
	[sflag:s28] =	ssyncadd.s32 $0xFFFFC000  }
0x135: {  	s31 =	sadd.s32 $0x1, s31  }
0x136: {  	p0 =	sne.s32 s31, s19  }
.Ltmp3:
0x137: {  	_ = 	snop;
	(pc) =	sbr.rel @p0 .LBB2_1-.Ltmp3, $1  }
0x138: {  	_ =	sdelay $0x3  }
0x139: {  	_ =	sfence.sel $0x180000  }
0x13a: {  	[bflag:$0x0] =	sbarrier.arrive $0xFFFF  }
0x13b: {  	_ =	strace $0x90000047  }
0x13c: {  	s0 =	stileid.u32;
	[bflag:$0x2] =	sbarrier.arrive $0xFFFF  }
0x13d: {  	p0 =	sne.s32 s0, $0x0;
	s0 =	rddreg [dreg:$0x3]  }
0x13e: {  	s0 =	sadd.s32 @!p0 $0x100000, s0  }
0x13f: {  	[sflag:s0] =	ssyncadd.tile.s32 @!p0 $0x1;
	_ =	shalt  }
.Lfunc_end2:
_tile_overlayer_lowered:
.L_overlay_start_2:
0x140: {  	(tag) =	ssettag $0x2  }
0x141: {  	s0 =	rddreg [dreg:$0x0];
	s2 =	stileid.u32  }
0x142: {  	s1 =	rddreg [dreg:$0x1];
	p0 =	sne.s32 s2, $0x0  }
0x143: {  	s3 =	rddreg [dreg:$0x2];
	[bflag:$0x3] =	sbarrier.arrive $0xFFFF;
	s2 =	simm.s32 @!p0 $0x1C02  }
0x144: {  	[timem:s3], [sflag:s2] =	dma.local @!p0 [hbm:s0], s1  }
0x145: {  	s0 =	simm.s32 @!p0 $0x2  }
0x146: {  	_ =	swait.ge @!p0 [sflag:s0], s1  }
0x147: {  	s1 =	ssub.s32 @!p0 $0x0, s1;
	[sflag:s0] =	ssyncset.done @!p0 $0x0  }
0x148: {  	[sflag:s0] =	ssyncadd.s32 @!p0 s1  }
0x149: {  	[bflag:$0x3] =	sbarrier.arrive $0xFFFF  }
0x14a: {  	_ =	shalt  }

</sc_bundles>
